<compile_context>
chip_gen: v7x
topology: tpu7x:2x2x1
jax: 0.10.2.dev20260603
libtpu: 0.0.44.dev20260713+nightly
codegen_flags: <defaults>
</compile_context>

<pallas_src>
import functools

import jax
import jax.numpy as jnp
from jax import lax
from jax.experimental import pallas as pl
from jax.experimental.pallas import tpu as pltpu
from jax.experimental.pallas import tpu_sc as plsc

_NC, _NS, _L = 2, 16, 16
_B, _C, _H, _W = 16, 64, 128, 128
_MO, _MP = 128, 17
_N = _MO * _MP
_NV = _N // _L
_CPT = _C // 2


def _sc_body(planes_hbm, tgt_hbm, ind_hbm, mask_hbm, out_hbm,
             idx_v, m_v, tv_v, pl0_v, pl1_v, pl2_v, red_v,
             sem0, sem1, sem2):
    cid = lax.axis_index("c")
    sid = lax.axis_index("s")
    g = cid * _NS + sid
    b = g // 2
    half = g % 2
    c0 = half * _CPT

    bufs = (pl0_v, pl1_v, pl2_v)
    sems = (sem0, sem1, sem2)

    pltpu.async_copy(planes_hbm.at[b, c0], pl0_v, sem0)
    pltpu.async_copy(planes_hbm.at[b, c0 + 1], pl1_v, sem1)
    pltpu.sync_copy(tgt_hbm.at[b, :, :, pl.ds(c0, _CPT)], tv_v)
    pltpu.sync_copy(ind_hbm.at[b], idx_v)
    pltpu.sync_copy(mask_hbm.at[b], m_v)

    zeros = jnp.zeros((_L,), jnp.float32)
    izeros = jnp.zeros((_L,), jnp.int32)
    iota = lax.broadcasted_iota(jnp.int32, (_L,), 0)

    def pair_acc(ref_a, ref_b, j0, acc):
        jv0 = jnp.full((_L,), j0, jnp.int32)
        jv1 = jv0 + 1

        def inner(i, carry):
            a, io, ip = carry
            sl = pl.ds(i * _L, _L)
            idx = idx_v[sl]
            ih = lax.shift_right_logical(idx, 7)
            iw = lax.bitwise_and(idx, 127)
            pa = plsc.load_gather(ref_a, [ih, iw])
            pb = plsc.load_gather(ref_b, [ih, iw])
            t0 = plsc.load_gather(tv_v, [io, ip, jv0])
            t1 = plsc.load_gather(tv_v, [io, ip, jv1])
            am = jnp.abs(m_v[sl])
            a = a + (jnp.abs(pa - t0) + jnp.abs(pb - t1)) * am
            ge = (ip >= 1).astype(jnp.int32)
            io = io + ge
            ip = ip + 16 - 17 * ge
            return (a, io, ip)

        acc, _, _ = lax.fori_loop(0, _NV, inner, (acc, izeros, iota),
                                  unroll=4)
        return acc

    def wait(k):
        pltpu.make_async_copy(planes_hbm.at[b, c0], bufs[k], sems[k]).wait()

    def issue(p, k):
        pltpu.async_copy(planes_hbm.at[b, c0 + p], bufs[k], sems[k])

    def step(ss, acc):
        for q in range(3):
            p = 3 * ss + q
            ka, kb, kc = (2 * q) % 3, (2 * q + 1) % 3, (2 * q + 2) % 3
            j0 = 2 * p
            wait(ka)
            wait(kb)

            @pl.when(j0 + 2 < _CPT)
            def _(j0=j0, kc=kc):
                issue(j0 + 2, kc)

            acc = pair_acc(bufs[ka], bufs[kb], j0, acc)

            @pl.when(j0 + 3 < _CPT)
            def _(j0=j0, ka=ka):
                issue(j0 + 3, ka)

        return acc

    acc = lax.fori_loop(0, _CPT // 2 // 3, step, zeros)
    wait(0)
    wait(1)
    acc = pair_acc(bufs[0], bufs[1], _CPT - 2, acc)

    def msum_step(i, a):
        return a + m_v[pl.ds(i * _L, _L)]

    msum = lax.fori_loop(0, _NV, msum_step, zeros)
    msum = msum * (half == 0).astype(jnp.float32)

    red_v[0, :] = acc
    red_v[1, :] = msum
    pltpu.sync_copy(red_v, out_hbm.at[cid, sid])


@functools.cache
def _sc_kernel():
    return functools.partial(
        pl.kernel,
        out_type=jax.ShapeDtypeStruct((_NC, _NS, 2, _L), jnp.float32),
        mesh=plsc.VectorSubcoreMesh(
            core_axis_name="c", subcore_axis_name="s",
            num_cores=_NC, num_subcores=_NS),
        compiler_params=pltpu.CompilerParams(
            needs_layout_passes=False, use_tc_tiling_on_sc=False),
        scratch_types=[
            pltpu.VMEM((_N,), jnp.int32),
            pltpu.VMEM((_N,), jnp.float32),
            pltpu.VMEM((_MO, _MP, _CPT), jnp.float32),
            pltpu.VMEM((_H, _W), jnp.float32),
            pltpu.VMEM((_H, _W), jnp.float32),
            pltpu.VMEM((_H, _W), jnp.float32),
            pltpu.VMEM((2, _L), jnp.float32),
            pltpu.SemaphoreType.DMA,
            pltpu.SemaphoreType.DMA,
            pltpu.SemaphoreType.DMA,
        ],
    )(_sc_body)


def kernel(output, target, ind, ind_mask):
    b, C, H, W = output.shape
    parts = _sc_kernel()(output, target,
                         ind.reshape(b, _N), ind_mask.reshape(b, _N))
    abs_sum = jnp.sum(parts[:, :, 0, :])
    mask_sum = jnp.sum(parts[:, :, 1, :])
    return abs_sum / (C * mask_sum + 0.0001)

# --- scband reference (transcript-rebuilt; emitter-appended) ---
"""Pipeline reference for scband-ind2d-reg-l1-loss-28114855919893 (READ-ONLY COPY).

The authoritative reference and input builder live on the scoring server;
editing this copy changes nothing except your own understanding.
"""

import jax, jax.numpy as jnp
import numpy as np


def setup_inputs(seed: int = 0) -> dict:
    key = jax.random.key(seed)
    k1, k2, k3 = jax.random.split(key, 3)
    b, C, H, W = 16, 64, 128, 128
    max_objs, max_parts = 128, 17
    output = jax.random.normal(k1, (b, C, H, W), dtype=jnp.float32)
    target = jax.random.normal(k2, (b, max_objs, max_parts, C), dtype=jnp.float32)
    ind = jax.random.randint(k3, (b, max_objs, max_parts), 0, H * W).astype(jnp.int32)
    ind_mask = jnp.ones((b, max_objs, max_parts), dtype=jnp.float32)
    return {"output": output, "target": target, "ind": ind, "ind_mask": ind_mask}


def reference(output, target, ind, ind_mask):
    b, C, H, W = output.shape
    _, max_objs, max_parts = ind.shape
    # _tranpose_and_gather_feat: permute(0,2,3,1) -> view(b, H*W, C) -> gather along dim 1
    feat = jnp.transpose(output, (0, 2, 3, 1)).reshape(b, H * W, C)
    ind_flat = ind.reshape(b, max_objs * max_parts)
    pred = jnp.take_along_axis(feat, ind_flat[:, :, None], axis=1)
    pred = pred.reshape(b, max_objs, max_parts, C)
    mask = jnp.broadcast_to(ind_mask[..., None], pred.shape)
    loss = jnp.sum(jnp.abs(pred * mask - target * mask))
    loss = loss / (jnp.sum(mask) + 0.0001)
    return loss

if __name__ == "__main__":
    import jax
    _d = setup_inputs()
    print(jax.jit(kernel)(*tuple(_d.values())))

</pallas_src>

<mosaic_0001>
#map = affine_map<(d0, d1) -> (0, 0, 0, 0)>
#map1 = affine_map<(d0, d1) -> (0, 0)>
module attributes {stable_mosaic.version = 14 : i64} {
  func.func @_sc_body(%arg0: i32, %arg1: i32, %arg2: memref<16x64x128x128xf32, #tpu.memory_space<hbm>>, %arg3: memref<16x128x17x64xf32, #tpu.memory_space<hbm>>, %arg4: memref<16x2176xi32, #tpu.memory_space<hbm>>, %arg5: memref<16x2176xf32, #tpu.memory_space<hbm>>, %arg6: memref<2x16x2x16xf32, #tpu.memory_space<hbm>>, %arg7: memref<2176xi32, #tpu.memory_space<vmem>>, %arg8: memref<2176xf32, #tpu.memory_space<vmem>>, %arg9: memref<128x17x32xf32, #tpu.memory_space<vmem>>, %arg10: memref<128x128xf32, #tpu.memory_space<vmem>>, %arg11: memref<128x128xf32, #tpu.memory_space<vmem>>, %arg12: memref<128x128xf32, #tpu.memory_space<vmem>>, %arg13: memref<2x16xf32, #tpu.memory_space<vmem>>, %arg14: memref<!tpu.dma_semaphore, #tpu.memory_space<semaphore_mem>>, %arg15: memref<!tpu.dma_semaphore, #tpu.memory_space<semaphore_mem>>, %arg16: memref<!tpu.dma_semaphore, #tpu.memory_space<semaphore_mem>>) attributes {dimension_semantics = [#tpu.dimension_semantics<core_parallel>, #tpu.dimension_semantics<subcore_parallel>], iteration_bounds = array<i64: 2, 16>, scalar_prefetch = 0 : i64, scratch_operands = 10 : i64, tpu.core_type = #tpu.core_type<sc_vector_subcore>, window_params = [{transform_indices = #map}, {transform_indices = #map}, {transform_indices = #map1}, {transform_indices = #map1}, {transform_indices = #map}]} {
    %mul3A = arith.constant 16 : i32
    %mul3A_0 = arith.muli %arg0, %mul3A : i32
    %add3A = arith.addi %mul3A_0, %arg1 : i32
    %jit3A = arith.constant 2 : i32
    %div3A = arith.divsi %add3A, %jit3A : i32
    %sign3A = arith.constant 0 : i32
    %sign3A_1 = arith.cmpi sgt, %add3A, %sign3A : i32
    %sign3A_2 = arith.extui %sign3A_1 : i1 to i32
    %sign3A_3 = arith.constant 0 : i32
    %sign3A_4 = arith.cmpi slt, %add3A, %sign3A_3 : i32
    %sign3A_5 = arith.extui %sign3A_4 : i1 to i32
    %sign3A_6 = arith.subi %sign3A_2, %sign3A_5 : i32
    %sign3A_7 = arith.constant 0 : i32
    %sign3A_8 = arith.cmpi sgt, %jit3A, %sign3A_7 : i32
    %sign3A_9 = arith.extui %sign3A_8 : i1 to i32
    %sign3A_10 = arith.constant 0 : i32
    %sign3A_11 = arith.cmpi slt, %jit3A, %sign3A_10 : i32
    %sign3A_12 = arith.extui %sign3A_11 : i1 to i32
    %sign3A_13 = arith.subi %sign3A_9, %sign3A_12 : i32
    %ne3A = arith.cmpi ne, %sign3A_6, %sign3A_13 : i32
    %rem3A = arith.remsi %add3A, %jit3A : i32
    %ne3A_14 = arith.constant 0 : i32
    %ne3A_15 = arith.cmpi ne, %rem3A, %ne3A_14 : i32
    %and3A = arith.andi %ne3A, %ne3A_15 : i1
    %sub3A = arith.constant 1 : i32
    %sub3A_16 = arith.subi %div3A, %sub3A : i32
    %select_n3A = arith.select %and3A, %sub3A_16, %div3A : i32
    %jit3A_17 = arith.constant 2 : i32
    %eq3A = arith.constant 0 : i32
    %eq3A_18 = arith.cmpi eq, %jit3A_17, %eq3A : i32
    %jit3A_19 = arith.constant 1 : i32
    %select_n3A_20 = arith.select %eq3A_18, %jit3A_19, %jit3A_17 : i32
    %rem3A_21 = arith.remsi %add3A, %select_n3A_20 : i32
    %ne3A_22 = arith.constant 0 : i32
    %ne3A_23 = arith.cmpi ne, %rem3A_21, %ne3A_22 : i32
    %lt3A = arith.constant 0 : i32
    %lt3A_24 = arith.cmpi slt, %rem3A_21, %lt3A : i32
    %lt3A_25 = arith.constant 0 : i32
    %lt3A_26 = arith.cmpi slt, %select_n3A_20, %lt3A_25 : i32
    %ne3A_27 = arith.xori %lt3A_24, %lt3A_26 : i1
    %and3A_28 = arith.andi %ne3A_27, %ne3A_23 : i1
    %add3A_29 = arith.addi %rem3A_21, %select_n3A_20 : i32
    %select_n3A_30 = arith.select %and3A_28, %add3A_29, %rem3A_21 : i32
    %mul3A_31 = arith.constant 32 : i32
    %mul3A_32 = arith.muli %select_n3A_30, %mul3A_31 : i32
    %dma_start3A = arith.constant 0 : i32
    %dma_start3A_33 = arith.constant 0 : i32
    %dma_start3A_34 = tpu.memref_slice %arg2[%select_n3A, %mul3A_32, %dma_start3A, %dma_start3A_33] : memref<16x64x128x128xf32, #tpu.memory_space<hbm>> -> memref<1x1x128x128xf32, #tpu.memory_space<hbm>>
    %dma_start3A_35 = tpu.memref_squeeze %dma_start3A_34 : memref<1x1x128x128xf32, #tpu.memory_space<hbm>> -> memref<128x128xf32, #tpu.memory_space<hbm>>
    %dma_start3A_36 = arith.constant 0 : i32
    %dma_start3A_37 = arith.constant 0 : i32
    %dma_start3A_38 = tpu.memref_slice %arg2[%select_n3A, %mul3A_32, %dma_start3A_36, %dma_start3A_37] : memref<16x64x128x128xf32, #tpu.memory_space<hbm>> -> memref<1x1x128x128xf32, #tpu.memory_space<hbm>>
    %dma_start3A_39 = tpu.memref_squeeze %dma_start3A_38 : memref<1x1x128x128xf32, #tpu.memory_space<hbm>> -> memref<128x128xf32, #tpu.memory_space<hbm>>
    tpu.enqueue_dma source(%dma_start3A_39 : memref<128x128xf32, #tpu.memory_space<hbm>>) target(%arg10 : memref<128x128xf32, #tpu.memory_space<vmem>>) target_semaphore(%arg14 : memref<!tpu.dma_semaphore, #tpu.memory_space<semaphore_mem>>)
    %add3A_40 = arith.constant 1 : i32
    %add3A_41 = arith.addi %mul3A_32, %add3A_40 : i32
    %dma_start3A_42 = arith.constant 0 : i32
    %dma_start3A_43 = arith.constant 0 : i32
    %dma_start3A_44 = tpu.memref_slice %arg2[%select_n3A, %add3A_41, %dma_start3A_42, %dma_start3A_43] : memref<16x64x128x128xf32, #tpu.memory_space<hbm>> -> memref<1x1x128x128xf32, #tpu.memory_space<hbm>>
    %dma_start3A_45 = tpu.memref_squeeze %dma_start3A_44 : memref<1x1x128x128xf32, #tpu.memory_space<hbm>> -> memref<128x128xf32, #tpu.memory_space<hbm>>
    %dma_start3A_46 = arith.constant 0 : i32
    %dma_start3A_47 = arith.constant 0 : i32
    %dma_start3A_48 = tpu.memref_slice %arg2[%select_n3A, %add3A_41, %dma_start3A_46, %dma_start3A_47] : memref<16x64x128x128xf32, #tpu.memory_space<hbm>> -> memref<1x1x128x128xf32, #tpu.memory_space<hbm>>
    %dma_start3A_49 = tpu.memref_squeeze %dma_start3A_48 : memref<1x1x128x128xf32, #tpu.memory_space<hbm>> -> memref<128x128xf32, #tpu.memory_space<hbm>>
    tpu.enqueue_dma source(%dma_start3A_49 : memref<128x128xf32, #tpu.memory_space<hbm>>) target(%arg11 : memref<128x128xf32, #tpu.memory_space<vmem>>) target_semaphore(%arg15 : memref<!tpu.dma_semaphore, #tpu.memory_space<semaphore_mem>>)
    "tpu.region"() ({
      %run_scoped3A = tpu.sem_alloc : memref<!tpu.dma_semaphore, #tpu.memory_space<semaphore_mem>>
      %dma_start3A_102 = arith.constant 0 : i32
      %dma_start3A_103 = arith.constant 0 : i32
      %dma_start3A_104 = tpu.memref_slice %arg3[%select_n3A, %dma_start3A_102, %dma_start3A_103, %mul3A_32] : memref<16x128x17x64xf32, #tpu.memory_space<hbm>> -> memref<1x128x17x32xf32, #tpu.memory_space<hbm>>
      %dma_start3A_105 = tpu.memref_squeeze %dma_start3A_104 : memref<1x128x17x32xf32, #tpu.memory_space<hbm>> -> memref<128x17x32xf32, #tpu.memory_space<hbm>>
      %dma_start3A_106 = arith.constant 0 : i32
      %dma_start3A_107 = arith.constant 0 : i32
      %dma_start3A_108 = tpu.memref_slice %arg3[%select_n3A, %dma_start3A_106, %dma_start3A_107, %mul3A_32] : memref<16x128x17x64xf32, #tpu.memory_space<hbm>> -> memref<1x128x17x32xf32, #tpu.memory_space<hbm>>
      %dma_start3A_109 = tpu.memref_squeeze %dma_start3A_108 : memref<1x128x17x32xf32, #tpu.memory_space<hbm>> -> memref<128x17x32xf32, #tpu.memory_space<hbm>>
      tpu.enqueue_dma source(%dma_start3A_109 : memref<128x17x32xf32, #tpu.memory_space<hbm>>) target(%arg9 : memref<128x17x32xf32, #tpu.memory_space<vmem>>) target_semaphore(%run_scoped3A : memref<!tpu.dma_semaphore, #tpu.memory_space<semaphore_mem>>)
      %dma_wait3A_110 = arith.constant 0 : i32
      %dma_wait3A_111 = arith.constant 0 : i32
      %dma_wait3A_112 = tpu.memref_slice %arg3[%select_n3A, %dma_wait3A_110, %dma_wait3A_111, %mul3A_32] : memref<16x128x17x64xf32, #tpu.memory_space<hbm>> -> memref<1x128x17x32xf32, #tpu.memory_space<hbm>>
      %dma_wait3A_113 = tpu.memref_squeeze %dma_wait3A_112 : memref<1x128x17x32xf32, #tpu.memory_space<hbm>> -> memref<128x17x32xf32, #tpu.memory_space<hbm>>
      %dma_wait3A_114 = arith.constant 0 : i32
      %dma_wait3A_115 = arith.constant 0 : i32
      %dma_wait3A_116 = tpu.memref_slice %arg3[%select_n3A, %dma_wait3A_114, %dma_wait3A_115, %mul3A_32] : memref<16x128x17x64xf32, #tpu.memory_space<hbm>> -> memref<1x128x17x32xf32, #tpu.memory_space<hbm>>
      %dma_wait3A_117 = tpu.memref_squeeze %dma_wait3A_116 : memref<1x128x17x32xf32, #tpu.memory_space<hbm>> -> memref<128x17x32xf32, #tpu.memory_space<hbm>>
      tpu.wait_dma2 semaphore(%run_scoped3A : memref<!tpu.dma_semaphore, #tpu.memory_space<semaphore_mem>>) src(%dma_wait3A_117 : memref<128x17x32xf32, #tpu.memory_space<hbm>>) dst(%arg9 : memref<128x17x32xf32, #tpu.memory_space<vmem>>)
      tpu.yield
    }) : () -> ()
    "tpu.region"() ({
      %run_scoped3A = tpu.sem_alloc : memref<!tpu.dma_semaphore, #tpu.memory_space<semaphore_mem>>
      %dma_start3A_102 = arith.constant 0 : i32
      %dma_start3A_103 = tpu.memref_slice %arg4[%select_n3A, %dma_start3A_102] : memref<16x2176xi32, #tpu.memory_space<hbm>> -> memref<1x2176xi32, #tpu.memory_space<hbm>>
      %dma_start3A_104 = tpu.memref_squeeze %dma_start3A_103 : memref<1x2176xi32, #tpu.memory_space<hbm>> -> memref<2176xi32, #tpu.memory_space<hbm>>
      %dma_start3A_105 = arith.constant 0 : i32
      %dma_start3A_106 = tpu.memref_slice %arg4[%select_n3A, %dma_start3A_105] : memref<16x2176xi32, #tpu.memory_space<hbm>> -> memref<1x2176xi32, #tpu.memory_space<hbm>>
      %dma_start3A_107 = tpu.memref_squeeze %dma_start3A_106 : memref<1x2176xi32, #tpu.memory_space<hbm>> -> memref<2176xi32, #tpu.memory_space<hbm>>
      tpu.enqueue_dma source(%dma_start3A_107 : memref<2176xi32, #tpu.memory_space<hbm>>) target(%arg7 : memref<2176xi32, #tpu.memory_space<vmem>>) target_semaphore(%run_scoped3A : memref<!tpu.dma_semaphore, #tpu.memory_space<semaphore_mem>>)
      %dma_wait3A_108 = arith.constant 0 : i32
      %dma_wait3A_109 = tpu.memref_slice %arg4[%select_n3A, %dma_wait3A_108] : memref<16x2176xi32, #tpu.memory_space<hbm>> -> memref<1x2176xi32, #tpu.memory_space<hbm>>
      %dma_wait3A_110 = tpu.memref_squeeze %dma_wait3A_109 : memref<1x2176xi32, #tpu.memory_space<hbm>> -> memref<2176xi32, #tpu.memory_space<hbm>>
      %dma_wait3A_111 = arith.constant 0 : i32
      %dma_wait3A_112 = tpu.memref_slice %arg4[%select_n3A, %dma_wait3A_111] : memref<16x2176xi32, #tpu.memory_space<hbm>> -> memref<1x2176xi32, #tpu.memory_space<hbm>>
      %dma_wait3A_113 = tpu.memref_squeeze %dma_wait3A_112 : memref<1x2176xi32, #tpu.memory_space<hbm>> -> memref<2176xi32, #tpu.memory_space<hbm>>
      tpu.wait_dma2 semaphore(%run_scoped3A : memref<!tpu.dma_semaphore, #tpu.memory_space<semaphore_mem>>) src(%dma_wait3A_113 : memref<2176xi32, #tpu.memory_space<hbm>>) dst(%arg7 : memref<2176xi32, #tpu.memory_space<vmem>>)
      tpu.yield
    }) : () -> ()
    "tpu.region"() ({
      %run_scoped3A = tpu.sem_alloc : memref<!tpu.dma_semaphore, #tpu.memory_space<semaphore_mem>>
      %dma_start3A_102 = arith.constant 0 : i32
      %dma_start3A_103 = tpu.memref_slice %arg5[%select_n3A, %dma_start3A_102] : memref<16x2176xf32, #tpu.memory_space<hbm>> -> memref<1x2176xf32, #tpu.memory_space<hbm>>
      %dma_start3A_104 = tpu.memref_squeeze %dma_start3A_103 : memref<1x2176xf32, #tpu.memory_space<hbm>> -> memref<2176xf32, #tpu.memory_space<hbm>>
      %dma_start3A_105 = arith.constant 0 : i32
      %dma_start3A_106 = tpu.memref_slice %arg5[%select_n3A, %dma_start3A_105] : memref<16x2176xf32, #tpu.memory_space<hbm>> -> memref<1x2176xf32, #tpu.memory_space<hbm>>
      %dma_start3A_107 = tpu.memref_squeeze %dma_start3A_106 : memref<1x2176xf32, #tpu.memory_space<hbm>> -> memref<2176xf32, #tpu.memory_space<hbm>>
      tpu.enqueue_dma source(%dma_start3A_107 : memref<2176xf32, #tpu.memory_space<hbm>>) target(%arg8 : memref<2176xf32, #tpu.memory_space<vmem>>) target_semaphore(%run_scoped3A : memref<!tpu.dma_semaphore, #tpu.memory_space<semaphore_mem>>)
      %dma_wait3A_108 = arith.constant 0 : i32
      %dma_wait3A_109 = tpu.memref_slice %arg5[%select_n3A, %dma_wait3A_108] : memref<16x2176xf32, #tpu.memory_space<hbm>> -> memref<1x2176xf32, #tpu.memory_space<hbm>>
      %dma_wait3A_110 = tpu.memref_squeeze %dma_wait3A_109 : memref<1x2176xf32, #tpu.memory_space<hbm>> -> memref<2176xf32, #tpu.memory_space<hbm>>
      %dma_wait3A_111 = arith.constant 0 : i32
      %dma_wait3A_112 = tpu.memref_slice %arg5[%select_n3A, %dma_wait3A_111] : memref<16x2176xf32, #tpu.memory_space<hbm>> -> memref<1x2176xf32, #tpu.memory_space<hbm>>
      %dma_wait3A_113 = tpu.memref_squeeze %dma_wait3A_112 : memref<1x2176xf32, #tpu.memory_space<hbm>> -> memref<2176xf32, #tpu.memory_space<hbm>>
      tpu.wait_dma2 semaphore(%run_scoped3A : memref<!tpu.dma_semaphore, #tpu.memory_space<semaphore_mem>>) src(%dma_wait3A_113 : memref<2176xf32, #tpu.memory_space<hbm>>) dst(%arg8 : memref<2176xf32, #tpu.memory_space<vmem>>)
      tpu.yield
    }) : () -> ()
    %broadcast_in_dim3A = arith.constant 0.000000e+00 : f32
    %broadcast_in_dim3A_50 = vector.broadcast %broadcast_in_dim3A : f32 to vector<16xf32>
    %broadcast_in_dim3A_51 = arith.constant 0 : i32
    %broadcast_in_dim3A_52 = vector.broadcast %broadcast_in_dim3A_51 : i32 to vector<16xi32>
    %iota3A = tpu.iota {dimensions = array<i32: 0>} : vector<16xi32>
    %scan3A = arith.constant 0 : i32
    %scan3A_53 = arith.constant 5 : i32
    %scan3A_54 = arith.addi %scan3A, %scan3A_53 : i32
    %scan3A_55 = arith.constant 1 : i32
    %scan3A_56 = scf.for %scan3A_102 = %scan3A to %scan3A_54 step %scan3A_55 iter_args(%scan3A_103 = %broadcast_in_dim3A_50) -> (vector<16xf32>)  : i32 {
      %mul3A_104 = arith.constant 3 : i32
      %mul3A_105 = arith.muli %mul3A_104, %scan3A_102 : i32
      %add3A_106 = arith.constant 0 : i32
      %add3A_107 = arith.addi %mul3A_105, %add3A_106 : i32
      %mul3A_108 = arith.constant 2 : i32
      %mul3A_109 = arith.muli %mul3A_108, %add3A_107 : i32
      %dma_wait3A_110 = arith.constant 0 : i32
      %dma_wait3A_111 = arith.constant 0 : i32
      %dma_wait3A_112 = tpu.memref_slice %arg2[%select_n3A, %mul3A_32, %dma_wait3A_110, %dma_wait3A_111] : memref<16x64x128x128xf32, #tpu.memory_space<hbm>> -> memref<1x1x128x128xf32, #tpu.memory_space<hbm>>
      %dma_wait3A_113 = tpu.memref_squeeze %dma_wait3A_112 : memref<1x1x128x128xf32, #tpu.memory_space<hbm>> -> memref<128x128xf32, #tpu.memory_space<hbm>>
      %dma_wait3A_114 = arith.constant 0 : i32
      %dma_wait3A_115 = arith.constant 0 : i32
      %dma_wait3A_116 = tpu.memref_slice %arg2[%select_n3A, %mul3A_32, %dma_wait3A_114, %dma_wait3A_115] : memref<16x64x128x128xf32, #tpu.memory_space<hbm>> -> memref<1x1x128x128xf32, #tpu.memory_space<hbm>>
      %dma_wait3A_117 = tpu.memref_squeeze %dma_wait3A_116 : memref<1x1x128x128xf32, #tpu.memory_space<hbm>> -> memref<128x128xf32, #tpu.memory_space<hbm>>
      tpu.wait_dma2 semaphore(%arg14 : memref<!tpu.dma_semaphore, #tpu.memory_space<semaphore_mem>>) src(%dma_wait3A_117 : memref<128x128xf32, #tpu.memory_space<hbm>>) dst(%arg10 : memref<128x128xf32, #tpu.memory_space<vmem>>)
      %dma_wait3A_118 = arith.constant 0 : i32
      %dma_wait3A_119 = arith.constant 0 : i32
      %dma_wait3A_120 = tpu.memref_slice %arg2[%select_n3A, %mul3A_32, %dma_wait3A_118, %dma_wait3A_119] : memref<16x64x128x128xf32, #tpu.memory_space<hbm>> -> memref<1x1x128x128xf32, #tpu.memory_space<hbm>>
      %dma_wait3A_121 = tpu.memref_squeeze %dma_wait3A_120 : memref<1x1x128x128xf32, #tpu.memory_space<hbm>> -> memref<128x128xf32, #tpu.memory_space<hbm>>
      %dma_wait3A_122 = arith.constant 0 : i32
      %dma_wait3A_123 = arith.constant 0 : i32
      %dma_wait3A_124 = tpu.memref_slice %arg2[%select_n3A, %mul3A_32, %dma_wait3A_122, %dma_wait3A_123] : memref<16x64x128x128xf32, #tpu.memory_space<hbm>> -> memref<1x1x128x128xf32, #tpu.memory_space<hbm>>
      %dma_wait3A_125 = tpu.memref_squeeze %dma_wait3A_124 : memref<1x1x128x128xf32, #tpu.memory_space<hbm>> -> memref<128x128xf32, #tpu.memory_space<hbm>>
      tpu.wait_dma2 semaphore(%arg15 : memref<!tpu.dma_semaphore, #tpu.memory_space<semaphore_mem>>) src(%dma_wait3A_125 : memref<128x128xf32, #tpu.memory_space<hbm>>) dst(%arg11 : memref<128x128xf32, #tpu.memory_space<vmem>>)
      %add3A_126 = arith.constant 2 : i32
      %add3A_127 = arith.addi %mul3A_109, %add3A_126 : i32
      %lt3A_128 = arith.constant 32 : i32
      %lt3A_129 = arith.cmpi slt, %add3A_127, %lt3A_128 : i32
      %convert_element_type3A_130 = arith.extui %lt3A_129 : i1 to i32
      %cond3A = arith.constant 0 : i32
      %cond3A_131 = arith.cmpi ne, %convert_element_type3A_130, %cond3A : i32
      scf.if %cond3A_131 {
        %add3A_241 = arith.constant 2 : i32
        %add3A_242 = arith.addi %mul3A_109, %add3A_241 : i32
        %add3A_243 = arith.addi %mul3A_32, %add3A_242 : i32
        %dma_start3A_244 = arith.constant 0 : i32
        %dma_start3A_245 = arith.constant 0 : i32
        %dma_start3A_246 = tpu.memref_slice %arg2[%select_n3A, %add3A_243, %dma_start3A_244, %dma_start3A_245] : memref<16x64x128x128xf32, #tpu.memory_space<hbm>> -> memref<1x1x128x128xf32, #tpu.memory_space<hbm>>
        %dma_start3A_247 = tpu.memref_squeeze %dma_start3A_246 : memref<1x1x128x128xf32, #tpu.memory_space<hbm>> -> memref<128x128xf32, #tpu.memory_space<hbm>>
        %dma_start3A_248 = arith.constant 0 : i32
        %dma_start3A_249 = arith.constant 0 : i32
        %dma_start3A_250 = tpu.memref_slice %arg2[%select_n3A, %add3A_243, %dma_start3A_248, %dma_start3A_249] : memref<16x64x128x128xf32, #tpu.memory_space<hbm>> -> memref<1x1x128x128xf32, #tpu.memory_space<hbm>>
        %dma_start3A_251 = tpu.memref_squeeze %dma_start3A_250 : memref<1x1x128x128xf32, #tpu.memory_space<hbm>> -> memref<128x128xf32, #tpu.memory_space<hbm>>
        tpu.enqueue_dma source(%dma_start3A_251 : memref<128x128xf32, #tpu.memory_space<hbm>>) target(%arg12 : memref<128x128xf32, #tpu.memory_space<vmem>>) target_semaphore(%arg16 : memref<!tpu.dma_semaphore, #tpu.memory_space<semaphore_mem>>)
      } else {
      }
      %broadcast_in_dim3A_132 = vector.broadcast %mul3A_109 : i32 to vector<16xi32>
      %add3A_133 = arith.constant 1 : i32
      %add3A_134 = vector.broadcast %add3A_133 : i32 to vector<16xi32>
      %add3A_135 = arith.addi %broadcast_in_dim3A_132, %add3A_134 : vector<16xi32>
      %scan3A_136 = arith.constant 0 : i32
      %scan3A_137 = arith.constant 136 : i32
      %scan3A_138 = arith.addi %scan3A_136, %scan3A_137 : i32
      %scan3A_139 = arith.constant 4 : i32
      %scan3A_140:3 = scf.for %scan3A_241 = %scan3A_136 to %scan3A_138 step %scan3A_139 iter_args(%scan3A_242 = %scan3A_103, %scan3A_243 = %broadcast_in_dim3A_52, %scan3A_244 = %iota3A) -> (vector<16xf32>, vector<16xi32>, vector<16xi32>)  : i32 {
        %mul3A_245 = arith.constant 16 : i32
        %mul3A_246 = arith.muli %scan3A_241, %mul3A_245 : i32
        %get3A = arith.index_cast %mul3A_246 : i32 to index
        %get3A_247 = tpu.vector_load %arg7[%get3A] {strides = array<i32>} : memref<2176xi32, #tpu.memory_space<vmem>>, vector<16xi32>,
        %shift_right_logical3A = arith.constant 7 : i32
        %shift_right_logical3A_248 = vector.broadcast %shift_right_logical3A : i32 to vector<16xi32>
        %shift_right_logical3A_249 = arith.shrui %get3A_247, %shift_right_logical3A_248 : vector<16xi32>
        %and3A_250 = arith.constant 127 : i32
        %and3A_251 = vector.broadcast %and3A_250 : i32 to vector<16xi32>
        %and3A_252 = arith.andi %get3A_247, %and3A_251 : vector<16xi32>
        %gather3A = tpu.vector_load_idx %arg10[%shift_right_logical3A_249, %and3A_252] : memref<128x128xf32, #tpu.memory_space<vmem>>[vector<16xi32>, vector<16xi32>], vector<16xf32>,
        %gather3A_253 = tpu.vector_load_idx %arg11[%shift_right_logical3A_249, %and3A_252] : memref<128x128xf32, #tpu.memory_space<vmem>>[vector<16xi32>, vector<16xi32>], vector<16xf32>,
        %gather3A_254 = tpu.vector_load_idx %arg9[%scan3A_243, %scan3A_244, %broadcast_in_dim3A_132] : memref<128x17x32xf32, #tpu.memory_space<vmem>>[vector<16xi32>, vector<16xi32>, vector<16xi32>], vector<16xf32>,
        %gather3A_255 = tpu.vector_load_idx %arg9[%scan3A_243, %scan3A_244, %add3A_135] : memref<128x17x32xf32, #tpu.memory_space<vmem>>[vector<16xi32>, vector<16xi32>, vector<16xi32>], vector<16xf32>,
        %get3A_256 = arith.index_cast %mul3A_246 : i32 to index
        %get3A_257 = tpu.vector_load %arg8[%get3A_256] {strides = array<i32>} : memref<2176xf32, #tpu.memory_space<vmem>>, vector<16xf32>,
        %abs3A = math.absf %get3A_257 : vector<16xf32>
        %sub3A_258 = arith.subf %gather3A, %gather3A_254 : vector<16xf32>
        %abs3A_259 = math.absf %sub3A_258 : vector<16xf32>
        %sub3A_260 = arith.subf %gather3A_253, %gather3A_255 : vector<16xf32>
        %abs3A_261 = math.absf %sub3A_260 : vector<16xf32>
        %add3A_262 = arith.addf %abs3A_259, %abs3A_261 : vector<16xf32>
        %mul3A_263 = arith.mulf %add3A_262, %abs3A : vector<16xf32>
        %add3A_264 = arith.addf %scan3A_242, %mul3A_263 : vector<16xf32>
        %ge3A = arith.constant 1 : i32
        %ge3A_265 = vector.broadcast %ge3A : i32 to vector<16xi32>
        %ge3A_266 = arith.cmpi sge, %scan3A_244, %ge3A_265 : vector<16xi32>
        %convert_element_type3A_267 = arith.extui %ge3A_266 : vector<16xi1> to vector<16xi32>
        %add3A_268 = arith.addi %scan3A_243, %convert_element_type3A_267 : vector<16xi32>
        %add3A_269 = arith.constant 16 : i32
        %add3A_270 = vector.broadcast %add3A_269 : i32 to vector<16xi32>
        %add3A_271 = arith.addi %scan3A_244, %add3A_270 : vector<16xi32>
        %mul3A_272 = arith.constant 17 : i32
        %mul3A_273 = vector.broadcast %mul3A_272 : i32 to vector<16xi32>
        %mul3A_274 = arith.muli %mul3A_273, %convert_element_type3A_267 : vector<16xi32>
        %sub3A_275 = arith.subi %add3A_271, %mul3A_274 : vector<16xi32>
        %scan3A_276 = arith.constant 1 : i32
        %scan3A_277 = arith.addi %scan3A_241, %scan3A_276 : i32
        %mul3A_278 = arith.constant 16 : i32
        %mul3A_279 = arith.muli %scan3A_277, %mul3A_278 : i32
        %get3A_280 = arith.index_cast %mul3A_279 : i32 to index
        %get3A_281 = tpu.vector_load %arg7[%get3A_280] {strides = array<i32>} : memref<2176xi32, #tpu.memory_space<vmem>>, vector<16xi32>,
        %shift_right_logical3A_282 = arith.constant 7 : i32
        %shift_right_logical3A_283 = vector.broadcast %shift_right_logical3A_282 : i32 to vector<16xi32>
        %shift_right_logical3A_284 = arith.shrui %get3A_281, %shift_right_logical3A_283 : vector<16xi32>
        %and3A_285 = arith.constant 127 : i32
        %and3A_286 = vector.broadcast %and3A_285 : i32 to vector<16xi32>
        %and3A_287 = arith.andi %get3A_281, %and3A_286 : vector<16xi32>
        %gather3A_288 = tpu.vector_load_idx %arg10[%shift_right_logical3A_284, %and3A_287] : memref<128x128xf32, #tpu.memory_space<vmem>>[vector<16xi32>, vector<16xi32>], vector<16xf32>,
        %gather3A_289 = tpu.vector_load_idx %arg11[%shift_right_logical3A_284, %and3A_287] : memref<128x128xf32, #tpu.memory_space<vmem>>[vector<16xi32>, vector<16xi32>], vector<16xf32>,
        %gather3A_290 = tpu.vector_load_idx %arg9[%add3A_268, %sub3A_275, %broadcast_in_dim3A_132] : memref<128x17x32xf32, #tpu.memory_space<vmem>>[vector<16xi32>, vector<16xi32>, vector<16xi32>], vector<16xf32>,
        %gather3A_291 = tpu.vector_load_idx %arg9[%add3A_268, %sub3A_275, %add3A_135] : memref<128x17x32xf32, #tpu.memory_space<vmem>>[vector<16xi32>, vector<16xi32>, vector<16xi32>], vector<16xf32>,
        %get3A_292 = arith.index_cast %mul3A_279 : i32 to index
        %get3A_293 = tpu.vector_load %arg8[%get3A_292] {strides = array<i32>} : memref<2176xf32, #tpu.memory_space<vmem>>, vector<16xf32>,
        %abs3A_294 = math.absf %get3A_293 : vector<16xf32>
        %sub3A_295 = arith.subf %gather3A_288, %gather3A_290 : vector<16xf32>
        %abs3A_296 = math.absf %sub3A_295 : vector<16xf32>
        %sub3A_297 = arith.subf %gather3A_289, %gather3A_291 : vector<16xf32>
        %abs3A_298 = math.absf %sub3A_297 : vector<16xf32>
        %add3A_299 = arith.addf %abs3A_296, %abs3A_298 : vector<16xf32>
        %mul3A_300 = arith.mulf %add3A_299, %abs3A_294 : vector<16xf32>
        %add3A_301 = arith.addf %add3A_264, %mul3A_300 : vector<16xf32>
        %ge3A_302 = arith.constant 1 : i32
        %ge3A_303 = vector.broadcast %ge3A_302 : i32 to vector<16xi32>
        %ge3A_304 = arith.cmpi sge, %sub3A_275, %ge3A_303 : vector<16xi32>
        %convert_element_type3A_305 = arith.extui %ge3A_304 : vector<16xi1> to vector<16xi32>
        %add3A_306 = arith.addi %add3A_268, %convert_element_type3A_305 : vector<16xi32>
        %add3A_307 = arith.constant 16 : i32
        %add3A_308 = vector.broadcast %add3A_307 : i32 to vector<16xi32>
        %add3A_309 = arith.addi %sub3A_275, %add3A_308 : vector<16xi32>
        %mul3A_310 = arith.constant 17 : i32
        %mul3A_311 = vector.broadcast %mul3A_310 : i32 to vector<16xi32>
        %mul3A_312 = arith.muli %mul3A_311, %convert_element_type3A_305 : vector<16xi32>
        %sub3A_313 = arith.subi %add3A_309, %mul3A_312 : vector<16xi32>
        %scan3A_314 = arith.constant 2 : i32
        %scan3A_315 = arith.addi %scan3A_241, %scan3A_314 : i32
        %mul3A_316 = arith.constant 16 : i32
        %mul3A_317 = arith.muli %scan3A_315, %mul3A_316 : i32
        %get3A_318 = arith.index_cast %mul3A_317 : i32 to index
        %get3A_319 = tpu.vector_load %arg7[%get3A_318] {strides = array<i32>} : memref<2176xi32, #tpu.memory_space<vmem>>, vector<16xi32>,
        %shift_right_logical3A_320 = arith.constant 7 : i32
        %shift_right_logical3A_321 = vector.broadcast %shift_right_logical3A_320 : i32 to vector<16xi32>
        %shift_right_logical3A_322 = arith.shrui %get3A_319, %shift_right_logical3A_321 : vector<16xi32>
        %and3A_323 = arith.constant 127 : i32
        %and3A_324 = vector.broadcast %and3A_323 : i32 to vector<16xi32>
        %and3A_325 = arith.andi %get3A_319, %and3A_324 : vector<16xi32>
        %gather3A_326 = tpu.vector_load_idx %arg10[%shift_right_logical3A_322, %and3A_325] : memref<128x128xf32, #tpu.memory_space<vmem>>[vector<16xi32>, vector<16xi32>], vector<16xf32>,
        %gather3A_327 = tpu.vector_load_idx %arg11[%shift_right_logical3A_322, %and3A_325] : memref<128x128xf32, #tpu.memory_space<vmem>>[vector<16xi32>, vector<16xi32>], vector<16xf32>,
        %gather3A_328 = tpu.vector_load_idx %arg9[%add3A_306, %sub3A_313, %broadcast_in_dim3A_132] : memref<128x17x32xf32, #tpu.memory_space<vmem>>[vector<16xi32>, vector<16xi32>, vector<16xi32>], vector<16xf32>,
        %gather3A_329 = tpu.vector_load_idx %arg9[%add3A_306, %sub3A_313, %add3A_135] : memref<128x17x32xf32, #tpu.memory_space<vmem>>[vector<16xi32>, vector<16xi32>, vector<16xi32>], vector<16xf32>,
        %get3A_330 = arith.index_cast %mul3A_317 : i32 to index
        %get3A_331 = tpu.vector_load %arg8[%get3A_330] {strides = array<i32>} : memref<2176xf32, #tpu.memory_space<vmem>>, vector<16xf32>,
        %abs3A_332 = math.absf %get3A_331 : vector<16xf32>
        %sub3A_333 = arith.subf %gather3A_326, %gather3A_328 : vector<16xf32>
        %abs3A_334 = math.absf %sub3A_333 : vector<16xf32>
        %sub3A_335 = arith.subf %gather3A_327, %gather3A_329 : vector<16xf32>
        %abs3A_336 = math.absf %sub3A_335 : vector<16xf32>
        %add3A_337 = arith.addf %abs3A_334, %abs3A_336 : vector<16xf32>
        %mul3A_338 = arith.mulf %add3A_337, %abs3A_332 : vector<16xf32>
        %add3A_339 = arith.addf %add3A_301, %mul3A_338 : vector<16xf32>
        %ge3A_340 = arith.constant 1 : i32
        %ge3A_341 = vector.broadcast %ge3A_340 : i32 to vector<16xi32>
        %ge3A_342 = arith.cmpi sge, %sub3A_313, %ge3A_341 : vector<16xi32>
        %convert_element_type3A_343 = arith.extui %ge3A_342 : vector<16xi1> to vector<16xi32>
        %add3A_344 = arith.addi %add3A_306, %convert_element_type3A_343 : vector<16xi32>
        %add3A_345 = arith.constant 16 : i32
        %add3A_346 = vector.broadcast %add3A_345 : i32 to vector<16xi32>
        %add3A_347 = arith.addi %sub3A_313, %add3A_346 : vector<16xi32>
        %mul3A_348 = arith.constant 17 : i32
        %mul3A_349 = vector.broadcast %mul3A_348 : i32 to vector<16xi32>
        %mul3A_350 = arith.muli %mul3A_349, %convert_element_type3A_343 : vector<16xi32>
        %sub3A_351 = arith.subi %add3A_347, %mul3A_350 : vector<16xi32>
        %scan3A_352 = arith.constant 3 : i32
        %scan3A_353 = arith.addi %scan3A_241, %scan3A_352 : i32
        %mul3A_354 = arith.constant 16 : i32
        %mul3A_355 = arith.muli %scan3A_353, %mul3A_354 : i32
        %get3A_356 = arith.index_cast %mul3A_355 : i32 to index
        %get3A_357 = tpu.vector_load %arg7[%get3A_356] {strides = array<i32>} : memref<2176xi32, #tpu.memory_space<vmem>>, vector<16xi32>,
        %shift_right_logical3A_358 = arith.constant 7 : i32
        %shift_right_logical3A_359 = vector.broadcast %shift_right_logical3A_358 : i32 to vector<16xi32>
        %shift_right_logical3A_360 = arith.shrui %get3A_357, %shift_right_logical3A_359 : vector<16xi32>
        %and3A_361 = arith.constant 127 : i32
        %and3A_362 = vector.broadcast %and3A_361 : i32 to vector<16xi32>
        %and3A_363 = arith.andi %get3A_357, %and3A_362 : vector<16xi32>
        %gather3A_364 = tpu.vector_load_idx %arg10[%shift_right_logical3A_360, %and3A_363] : memref<128x128xf32, #tpu.memory_space<vmem>>[vector<16xi32>, vector<16xi32>], vector<16xf32>,
        %gather3A_365 = tpu.vector_load_idx %arg11[%shift_right_logical3A_360, %and3A_363] : memref<128x128xf32, #tpu.memory_space<vmem>>[vector<16xi32>, vector<16xi32>], vector<16xf32>,
        %gather3A_366 = tpu.vector_load_idx %arg9[%add3A_344, %sub3A_351, %broadcast_in_dim3A_132] : memref<128x17x32xf32, #tpu.memory_space<vmem>>[vector<16xi32>, vector<16xi32>, vector<16xi32>], vector<16xf32>,
        %gather3A_367 = tpu.vector_load_idx %arg9[%add3A_344, %sub3A_351, %add3A_135] : memref<128x17x32xf32, #tpu.memory_space<vmem>>[vector<16xi32>, vector<16xi32>, vector<16xi32>], vector<16xf32>,
        %get3A_368 = arith.index_cast %mul3A_355 : i32 to index
        %get3A_369 = tpu.vector_load %arg8[%get3A_368] {strides = array<i32>} : memref<2176xf32, #tpu.memory_space<vmem>>, vector<16xf32>,
        %abs3A_370 = math.absf %get3A_369 : vector<16xf32>
        %sub3A_371 = arith.subf %gather3A_364, %gather3A_366 : vector<16xf32>
        %abs3A_372 = math.absf %sub3A_371 : vector<16xf32>
        %sub3A_373 = arith.subf %gather3A_365, %gather3A_367 : vector<16xf32>
        %abs3A_374 = math.absf %sub3A_373 : vector<16xf32>
        %add3A_375 = arith.addf %abs3A_372, %abs3A_374 : vector<16xf32>
        %mul3A_376 = arith.mulf %add3A_375, %abs3A_370 : vector<16xf32>
        %add3A_377 = arith.addf %add3A_339, %mul3A_376 : vector<16xf32>
        %ge3A_378 = arith.constant 1 : i32
        %ge3A_379 = vector.broadcast %ge3A_378 : i32 to vector<16xi32>
        %ge3A_380 = arith.cmpi sge, %sub3A_351, %ge3A_379 : vector<16xi32>
        %convert_element_type3A_381 = arith.extui %ge3A_380 : vector<16xi1> to vector<16xi32>
        %add3A_382 = arith.addi %add3A_344, %convert_element_type3A_381 : vector<16xi32>
        %add3A_383 = arith.constant 16 : i32
        %add3A_384 = vector.broadcast %add3A_383 : i32 to vector<16xi32>
        %add3A_385 = arith.addi %sub3A_351, %add3A_384 : vector<16xi32>
        %mul3A_386 = arith.constant 17 : i32
        %mul3A_387 = vector.broadcast %mul3A_386 : i32 to vector<16xi32>
        %mul3A_388 = arith.muli %mul3A_387, %convert_element_type3A_381 : vector<16xi32>
        %sub3A_389 = arith.subi %add3A_385, %mul3A_388 : vector<16xi32>
        scf.yield %add3A_377, %add3A_382, %sub3A_389 : vector<16xf32>, vector<16xi32>, vector<16xi32>
      }
      %scan3A_141 = arith.constant 136 : i32
      %add3A_142 = arith.constant 3 : i32
      %add3A_143 = arith.addi %mul3A_109, %add3A_142 : i32
      %lt3A_144 = arith.constant 32 : i32
      %lt3A_145 = arith.cmpi slt, %add3A_143, %lt3A_144 : i32
      %convert_element_type3A_146 = arith.extui %lt3A_145 : i1 to i32
      %cond3A_147 = arith.constant 0 : i32
      %cond3A_148 = arith.cmpi ne, %convert_element_type3A_146, %cond3A_147 : i32
      scf.if %cond3A_148 {
        %add3A_241 = arith.constant 3 : i32
        %add3A_242 = arith.addi %mul3A_109, %add3A_241 : i32
        %add3A_243 = arith.addi %mul3A_32, %add3A_242 : i32
        %dma_start3A_244 = arith.constant 0 : i32
        %dma_start3A_245 = arith.constant 0 : i32
        %dma_start3A_246 = tpu.memref_slice %arg2[%select_n3A, %add3A_243, %dma_start3A_244, %dma_start3A_245] : memref<16x64x128x128xf32, #tpu.memory_space<hbm>> -> memref<1x1x128x128xf32, #tpu.memory_space<hbm>>
        %dma_start3A_247 = tpu.memref_squeeze %dma_start3A_246 : memref<1x1x128x128xf32, #tpu.memory_space<hbm>> -> memref<128x128xf32, #tpu.memory_space<hbm>>
        %dma_start3A_248 = arith.constant 0 : i32
        %dma_start3A_249 = arith.constant 0 : i32
        %dma_start3A_250 = tpu.memref_slice %arg2[%select_n3A, %add3A_243, %dma_start3A_248, %dma_start3A_249] : memref<16x64x128x128xf32, #tpu.memory_space<hbm>> -> memref<1x1x128x128xf32, #tpu.memory_space<hbm>>
        %dma_start3A_251 = tpu.memref_squeeze %dma_start3A_250 : memref<1x1x128x128xf32, #tpu.memory_space<hbm>> -> memref<128x128xf32, #tpu.memory_space<hbm>>
        tpu.enqueue_dma source(%dma_start3A_251 : memref<128x128xf32, #tpu.memory_space<hbm>>) target(%arg10 : memref<128x128xf32, #tpu.memory_space<vmem>>) target_semaphore(%arg14 : memref<!tpu.dma_semaphore, #tpu.memory_space<semaphore_mem>>)
      } else {
      }
      %mul3A_149 = arith.constant 3 : i32
      %mul3A_150 = arith.muli %mul3A_149, %scan3A_102 : i32
      %add3A_151 = arith.constant 1 : i32
      %add3A_152 = arith.addi %mul3A_150, %add3A_151 : i32
      %mul3A_153 = arith.constant 2 : i32
      %mul3A_154 = arith.muli %mul3A_153, %add3A_152 : i32
      %dma_wait3A_155 = arith.constant 0 : i32
      %dma_wait3A_156 = arith.constant 0 : i32
      %dma_wait3A_157 = tpu.memref_slice %arg2[%select_n3A, %mul3A_32, %dma_wait3A_155, %dma_wait3A_156] : memref<16x64x128x128xf32, #tpu.memory_space<hbm>> -> memref<1x1x128x128xf32, #tpu.memory_space<hbm>>
      %dma_wait3A_158 = tpu.memref_squeeze %dma_wait3A_157 : memref<1x1x128x128xf32, #tpu.memory_space<hbm>> -> memref<128x128xf32, #tpu.memory_space<hbm>>
      %dma_wait3A_159 = arith.constant 0 : i32
      %dma_wait3A_160 = arith.constant 0 : i32
      %dma_wait3A_161 = tpu.memref_slice %arg2[%select_n3A, %mul3A_32, %dma_wait3A_159, %dma_wait3A_160] : memref<16x64x128x128xf32, #tpu.memory_space<hbm>> -> memref<1x1x128x128xf32, #tpu.memory_space<hbm>>
      %dma_wait3A_162 = tpu.memref_squeeze %dma_wait3A_161 : memref<1x1x128x128xf32, #tpu.memory_space<hbm>> -> memref<128x128xf32, #tpu.memory_space<hbm>>
      tpu.wait_dma2 semaphore(%arg16 : memref<!tpu.dma_semaphore, #tpu.memory_space<semaphore_mem>>) src(%dma_wait3A_162 : memref<128x128xf32, #tpu.memory_space<hbm>>) dst(%arg12 : memref<128x128xf32, #tpu.memory_space<vmem>>)
      %dma_wait3A_163 = arith.constant 0 : i32
      %dma_wait3A_164 = arith.constant 0 : i32
      %dma_wait3A_165 = tpu.memref_slice %arg2[%select_n3A, %mul3A_32, %dma_wait3A_163, %dma_wait3A_164] : memref<16x64x128x128xf32, #tpu.memory_space<hbm>> -> memref<1x1x128x128xf32, #tpu.memory_space<hbm>>
      %dma_wait3A_166 = tpu.memref_squeeze %dma_wait3A_165 : memref<1x1x128x128xf32, #tpu.memory_space<hbm>> -> memref<128x128xf32, #tpu.memory_space<hbm>>
      %dma_wait3A_167 = arith.constant 0 : i32
      %dma_wait3A_168 = arith.constant 0 : i32
      %dma_wait3A_169 = tpu.memref_slice %arg2[%select_n3A, %mul3A_32, %dma_wait3A_167, %dma_wait3A_168] : memref<16x64x128x128xf32, #tpu.memory_space<hbm>> -> memref<1x1x128x128xf32, #tpu.memory_space<hbm>>
      %dma_wait3A_170 = tpu.memref_squeeze %dma_wait3A_169 : memref<1x1x128x128xf32, #tpu.memory_space<hbm>> -> memref<128x128xf32, #tpu.memory_space<hbm>>
      tpu.wait_dma2 semaphore(%arg14 : memref<!tpu.dma_semaphore, #tpu.memory_space<semaphore_mem>>) src(%dma_wait3A_170 : memref<128x128xf32, #tpu.memory_space<hbm>>) dst(%arg10 : memref<128x128xf32, #tpu.memory_space<vmem>>)
      %add3A_171 = arith.constant 2 : i32
      %add3A_172 = arith.addi %mul3A_154, %add3A_171 : i32
      %lt3A_173 = arith.constant 32 : i32
      %lt3A_174 = arith.cmpi slt, %add3A_172, %lt3A_173 : i32
      %convert_element_type3A_175 = arith.extui %lt3A_174 : i1 to i32
      %cond3A_176 = arith.constant 0 : i32
      %cond3A_177 = arith.cmpi ne, %convert_element_type3A_175, %cond3A_176 : i32
      scf.if %cond3A_177 {
        %add3A_241 = arith.constant 2 : i32
        %add3A_242 = arith.addi %mul3A_154, %add3A_241 : i32
        %add3A_243 = arith.addi %mul3A_32, %add3A_242 : i32
        %dma_start3A_244 = arith.constant 0 : i32
        %dma_start3A_245 = arith.constant 0 : i32
        %dma_start3A_246 = tpu.memref_slice %arg2[%select_n3A, %add3A_243, %dma_start3A_244, %dma_start3A_245] : memref<16x64x128x128xf32, #tpu.memory_space<hbm>> -> memref<1x1x128x128xf32, #tpu.memory_space<hbm>>
        %dma_start3A_247 = tpu.memref_squeeze %dma_start3A_246 : memref<1x1x128x128xf32, #tpu.memory_space<hbm>> -> memref<128x128xf32, #tpu.memory_space<hbm>>
        %dma_start3A_248 = arith.constant 0 : i32
        %dma_start3A_249 = arith.constant 0 : i32
        %dma_start3A_250 = tpu.memref_slice %arg2[%select_n3A, %add3A_243, %dma_start3A_248, %dma_start3A_249] : memref<16x64x128x128xf32, #tpu.memory_space<hbm>> -> memref<1x1x128x128xf32, #tpu.memory_space<hbm>>
        %dma_start3A_251 = tpu.memref_squeeze %dma_start3A_250 : memref<1x1x128x128xf32, #tpu.memory_space<hbm>> -> memref<128x128xf32, #tpu.memory_space<hbm>>
        tpu.enqueue_dma source(%dma_start3A_251 : memref<128x128xf32, #tpu.memory_space<hbm>>) target(%arg11 : memref<128x128xf32, #tpu.memory_space<vmem>>) target_semaphore(%arg15 : memref<!tpu.dma_semaphore, #tpu.memory_space<semaphore_mem>>)
      } else {
      }
      %broadcast_in_dim3A_178 = vector.broadcast %mul3A_154 : i32 to vector<16xi32>
      %add3A_179 = arith.constant 1 : i32
      %add3A_180 = vector.broadcast %add3A_179 : i32 to vector<16xi32>
      %add3A_181 = arith.addi %broadcast_in_dim3A_178, %add3A_180 : vector<16xi32>
      %scan3A_182 = arith.constant 0 : i32
      %scan3A_183 = arith.constant 136 : i32
      %scan3A_184 = arith.addi %scan3A_182, %scan3A_183 : i32
      %scan3A_185 = arith.constant 4 : i32
      %scan3A_186:3 = scf.for %scan3A_241 = %scan3A_182 to %scan3A_184 step %scan3A_185 iter_args(%scan3A_242 = %scan3A_140#0, %scan3A_243 = %broadcast_in_dim3A_52, %scan3A_244 = %iota3A) -> (vector<16xf32>, vector<16xi32>, vector<16xi32>)  : i32 {
        %mul3A_245 = arith.constant 16 : i32
        %mul3A_246 = arith.muli %scan3A_241, %mul3A_245 : i32
        %get3A = arith.index_cast %mul3A_246 : i32 to index
        %get3A_247 = tpu.vector_load %arg7[%get3A] {strides = array<i32>} : memref<2176xi32, #tpu.memory_space<vmem>>, vector<16xi32>,
        %shift_right_logical3A = arith.constant 7 : i32
        %shift_right_logical3A_248 = vector.broadcast %shift_right_logical3A : i32 to vector<16xi32>
        %shift_right_logical3A_249 = arith.shrui %get3A_247, %shift_right_logical3A_248 : vector<16xi32>
        %and3A_250 = arith.constant 127 : i32
        %and3A_251 = vector.broadcast %and3A_250 : i32 to vector<16xi32>
        %and3A_252 = arith.andi %get3A_247, %and3A_251 : vector<16xi32>
        %gather3A = tpu.vector_load_idx %arg12[%shift_right_logical3A_249, %and3A_252] : memref<128x128xf32, #tpu.memory_space<vmem>>[vector<16xi32>, vector<16xi32>], vector<16xf32>,
        %gather3A_253 = tpu.vector_load_idx %arg10[%shift_right_logical3A_249, %and3A_252] : memref<128x128xf32, #tpu.memory_space<vmem>>[vector<16xi32>, vector<16xi32>], vector<16xf32>,
        %gather3A_254 = tpu.vector_load_idx %arg9[%scan3A_243, %scan3A_244, %broadcast_in_dim3A_178] : memref<128x17x32xf32, #tpu.memory_space<vmem>>[vector<16xi32>, vector<16xi32>, vector<16xi32>], vector<16xf32>,
        %gather3A_255 = tpu.vector_load_idx %arg9[%scan3A_243, %scan3A_244, %add3A_181] : memref<128x17x32xf32, #tpu.memory_space<vmem>>[vector<16xi32>, vector<16xi32>, vector<16xi32>], vector<16xf32>,
        %get3A_256 = arith.index_cast %mul3A_246 : i32 to index
        %get3A_257 = tpu.vector_load %arg8[%get3A_256] {strides = array<i32>} : memref<2176xf32, #tpu.memory_space<vmem>>, vector<16xf32>,
        %abs3A = math.absf %get3A_257 : vector<16xf32>
        %sub3A_258 = arith.subf %gather3A, %gather3A_254 : vector<16xf32>
        %abs3A_259 = math.absf %sub3A_258 : vector<16xf32>
        %sub3A_260 = arith.subf %gather3A_253, %gather3A_255 : vector<16xf32>
        %abs3A_261 = math.absf %sub3A_260 : vector<16xf32>
        %add3A_262 = arith.addf %abs3A_259, %abs3A_261 : vector<16xf32>
        %mul3A_263 = arith.mulf %add3A_262, %abs3A : vector<16xf32>
        %add3A_264 = arith.addf %scan3A_242, %mul3A_263 : vector<16xf32>
        %ge3A = arith.constant 1 : i32
        %ge3A_265 = vector.broadcast %ge3A : i32 to vector<16xi32>
        %ge3A_266 = arith.cmpi sge, %scan3A_244, %ge3A_265 : vector<16xi32>
        %convert_element_type3A_267 = arith.extui %ge3A_266 : vector<16xi1> to vector<16xi32>
        %add3A_268 = arith.addi %scan3A_243, %convert_element_type3A_267 : vector<16xi32>
        %add3A_269 = arith.constant 16 : i32
        %add3A_270 = vector.broadcast %add3A_269 : i32 to vector<16xi32>
        %add3A_271 = arith.addi %scan3A_244, %add3A_270 : vector<16xi32>
        %mul3A_272 = arith.constant 17 : i32
        %mul3A_273 = vector.broadcast %mul3A_272 : i32 to vector<16xi32>
        %mul3A_274 = arith.muli %mul3A_273, %convert_element_type3A_267 : vector<16xi32>
        %sub3A_275 = arith.subi %add3A_271, %mul3A_274 : vector<16xi32>
        %scan3A_276 = arith.constant 1 : i32
        %scan3A_277 = arith.addi %scan3A_241, %scan3A_276 : i32
        %mul3A_278 = arith.constant 16 : i32
        %mul3A_279 = arith.muli %scan3A_277, %mul3A_278 : i32
        %get3A_280 = arith.index_cast %mul3A_279 : i32 to index
        %get3A_281 = tpu.vector_load %arg7[%get3A_280] {strides = array<i32>} : memref<2176xi32, #tpu.memory_space<vmem>>, vector<16xi32>,
        %shift_right_logical3A_282 = arith.constant 7 : i32
        %shift_right_logical3A_283 = vector.broadcast %shift_right_logical3A_282 : i32 to vector<16xi32>
        %shift_right_logical3A_284 = arith.shrui %get3A_281, %shift_right_logical3A_283 : vector<16xi32>
        %and3A_285 = arith.constant 127 : i32
        %and3A_286 = vector.broadcast %and3A_285 : i32 to vector<16xi32>
        %and3A_287 = arith.andi %get3A_281, %and3A_286 : vector<16xi32>
        %gather3A_288 = tpu.vector_load_idx %arg12[%shift_right_logical3A_284, %and3A_287] : memref<128x128xf32, #tpu.memory_space<vmem>>[vector<16xi32>, vector<16xi32>], vector<16xf32>,
        %gather3A_289 = tpu.vector_load_idx %arg10[%shift_right_logical3A_284, %and3A_287] : memref<128x128xf32, #tpu.memory_space<vmem>>[vector<16xi32>, vector<16xi32>], vector<16xf32>,
        %gather3A_290 = tpu.vector_load_idx %arg9[%add3A_268, %sub3A_275, %broadcast_in_dim3A_178] : memref<128x17x32xf32, #tpu.memory_space<vmem>>[vector<16xi32>, vector<16xi32>, vector<16xi32>], vector<16xf32>,
        %gather3A_291 = tpu.vector_load_idx %arg9[%add3A_268, %sub3A_275, %add3A_181] : memref<128x17x32xf32, #tpu.memory_space<vmem>>[vector<16xi32>, vector<16xi32>, vector<16xi32>], vector<16xf32>,
        %get3A_292 = arith.index_cast %mul3A_279 : i32 to index
        %get3A_293 = tpu.vector_load %arg8[%get3A_292] {strides = array<i32>} : memref<2176xf32, #tpu.memory_space<vmem>>, vector<16xf32>,
        %abs3A_294 = math.absf %get3A_293 : vector<16xf32>
        %sub3A_295 = arith.subf %gather3A_288, %gather3A_290 : vector<16xf32>
        %abs3A_296 = math.absf %sub3A_295 : vector<16xf32>
        %sub3A_297 = arith.subf %gather3A_289, %gather3A_291 : vector<16xf32>
        %abs3A_298 = math.absf %sub3A_297 : vector<16xf32>
        %add3A_299 = arith.addf %abs3A_296, %abs3A_298 : vector<16xf32>
        %mul3A_300 = arith.mulf %add3A_299, %abs3A_294 : vector<16xf32>
        %add3A_301 = arith.addf %add3A_264, %mul3A_300 : vector<16xf32>
        %ge3A_302 = arith.constant 1 : i32
        %ge3A_303 = vector.broadcast %ge3A_302 : i32 to vector<16xi32>
        %ge3A_304 = arith.cmpi sge, %sub3A_275, %ge3A_303 : vector<16xi32>
        %convert_element_type3A_305 = arith.extui %ge3A_304 : vector<16xi1> to vector<16xi32>
        %add3A_306 = arith.addi %add3A_268, %convert_element_type3A_305 : vector<16xi32>
        %add3A_307 = arith.constant 16 : i32
        %add3A_308 = vector.broadcast %add3A_307 : i32 to vector<16xi32>
        %add3A_309 = arith.addi %sub3A_275, %add3A_308 : vector<16xi32>
        %mul3A_310 = arith.constant 17 : i32
        %mul3A_311 = vector.broadcast %mul3A_310 : i32 to vector<16xi32>
        %mul3A_312 = arith.muli %mul3A_311, %convert_element_type3A_305 : vector<16xi32>
        %sub3A_313 = arith.subi %add3A_309, %mul3A_312 : vector<16xi32>
        %scan3A_314 = arith.constant 2 : i32
        %scan3A_315 = arith.addi %scan3A_241, %scan3A_314 : i32
        %mul3A_316 = arith.constant 16 : i32
        %mul3A_317 = arith.muli %scan3A_315, %mul3A_316 : i32
        %get3A_318 = arith.index_cast %mul3A_317 : i32 to index
        %get3A_319 = tpu.vector_load %arg7[%get3A_318] {strides = array<i32>} : memref<2176xi32, #tpu.memory_space<vmem>>, vector<16xi32>,
        %shift_right_logical3A_320 = arith.constant 7 : i32
        %shift_right_logical3A_321 = vector.broadcast %shift_right_logical3A_320 : i32 to vector<16xi32>
        %shift_right_logical3A_322 = arith.shrui %get3A_319, %shift_right_logical3A_321 : vector<16xi32>
        %and3A_323 = arith.constant 127 : i32
        %and3A_324 = vector.broadcast %and3A_323 : i32 to vector<16xi32>
        %and3A_325 = arith.andi %get3A_319, %and3A_324 : vector<16xi32>
        %gather3A_326 = tpu.vector_load_idx %arg12[%shift_right_logical3A_322, %and3A_325] : memref<128x128xf32, #tpu.memory_space<vmem>>[vector<16xi32>, vector<16xi32>], vector<16xf32>,
        %gather3A_327 = tpu.vector_load_idx %arg10[%shift_right_logical3A_322, %and3A_325] : memref<128x128xf32, #tpu.memory_space<vmem>>[vector<16xi32>, vector<16xi32>], vector<16xf32>,
        %gather3A_328 = tpu.vector_load_idx %arg9[%add3A_306, %sub3A_313, %broadcast_in_dim3A_178] : memref<128x17x32xf32, #tpu.memory_space<vmem>>[vector<16xi32>, vector<16xi32>, vector<16xi32>], vector<16xf32>,
        %gather3A_329 = tpu.vector_load_idx %arg9[%add3A_306, %sub3A_313, %add3A_181] : memref<128x17x32xf32, #tpu.memory_space<vmem>>[vector<16xi32>, vector<16xi32>, vector<16xi32>], vector<16xf32>,
        %get3A_330 = arith.index_cast %mul3A_317 : i32 to index
        %get3A_331 = tpu.vector_load %arg8[%get3A_330] {strides = array<i32>} : memref<2176xf32, #tpu.memory_space<vmem>>, vector<16xf32>,
        %abs3A_332 = math.absf %get3A_331 : vector<16xf32>
        %sub3A_333 = arith.subf %gather3A_326, %gather3A_328 : vector<16xf32>
        %abs3A_334 = math.absf %sub3A_333 : vector<16xf32>
        %sub3A_335 = arith.subf %gather3A_327, %gather3A_329 : vector<16xf32>
        %abs3A_336 = math.absf %sub3A_335 : vector<16xf32>
        %add3A_337 = arith.addf %abs3A_334, %abs3A_336 : vector<16xf32>
        %mul3A_338 = arith.mulf %add3A_337, %abs3A_332 : vector<16xf32>
        %add3A_339 = arith.addf %add3A_301, %mul3A_338 : vector<16xf32>
        %ge3A_340 = arith.constant 1 : i32
        %ge3A_341 = vector.broadcast %ge3A_340 : i32 to vector<16xi32>
        %ge3A_342 = arith.cmpi sge, %sub3A_313, %ge3A_341 : vector<16xi32>
        %convert_element_type3A_343 = arith.extui %ge3A_342 : vector<16xi1> to vector<16xi32>
        %add3A_344 = arith.addi %add3A_306, %convert_element_type3A_343 : vector<16xi32>
        %add3A_345 = arith.constant 16 : i32
        %add3A_346 = vector.broadcast %add3A_345 : i32 to vector<16xi32>
        %add3A_347 = arith.addi %sub3A_313, %add3A_346 : vector<16xi32>
        %mul3A_348 = arith.constant 17 : i32
        %mul3A_349 = vector.broadcast %mul3A_348 : i32 to vector<16xi32>
        %mul3A_350 = arith.muli %mul3A_349, %convert_element_type3A_343 : vector<16xi32>
        %sub3A_351 = arith.subi %add3A_347, %mul3A_350 : vector<16xi32>
        %scan3A_352 = arith.constant 3 : i32
        %scan3A_353 = arith.addi %scan3A_241, %scan3A_352 : i32
        %mul3A_354 = arith.constant 16 : i32
        %mul3A_355 = arith.muli %scan3A_353, %mul3A_354 : i32
        %get3A_356 = arith.index_cast %mul3A_355 : i32 to index
        %get3A_357 = tpu.vector_load %arg7[%get3A_356] {strides = array<i32>} : memref<2176xi32, #tpu.memory_space<vmem>>, vector<16xi32>,
        %shift_right_logical3A_358 = arith.constant 7 : i32
        %shift_right_logical3A_359 = vector.broadcast %shift_right_logical3A_358 : i32 to vector<16xi32>
        %shift_right_logical3A_360 = arith.shrui %get3A_357, %shift_right_logical3A_359 : vector<16xi32>
        %and3A_361 = arith.constant 127 : i32
        %and3A_362 = vector.broadcast %and3A_361 : i32 to vector<16xi32>
        %and3A_363 = arith.andi %get3A_357, %and3A_362 : vector<16xi32>
        %gather3A_364 = tpu.vector_load_idx %arg12[%shift_right_logical3A_360, %and3A_363] : memref<128x128xf32, #tpu.memory_space<vmem>>[vector<16xi32>, vector<16xi32>], vector<16xf32>,
        %gather3A_365 = tpu.vector_load_idx %arg10[%shift_right_logical3A_360, %and3A_363] : memref<128x128xf32, #tpu.memory_space<vmem>>[vector<16xi32>, vector<16xi32>], vector<16xf32>,
        %gather3A_366 = tpu.vector_load_idx %arg9[%add3A_344, %sub3A_351, %broadcast_in_dim3A_178] : memref<128x17x32xf32, #tpu.memory_space<vmem>>[vector<16xi32>, vector<16xi32>, vector<16xi32>], vector<16xf32>,
        %gather3A_367 = tpu.vector_load_idx %arg9[%add3A_344, %sub3A_351, %add3A_181] : memref<128x17x32xf32, #tpu.memory_space<vmem>>[vector<16xi32>, vector<16xi32>, vector<16xi32>], vector<16xf32>,
        %get3A_368 = arith.index_cast %mul3A_355 : i32 to index
        %get3A_369 = tpu.vector_load %arg8[%get3A_368] {strides = array<i32>} : memref<2176xf32, #tpu.memory_space<vmem>>, vector<16xf32>,
        %abs3A_370 = math.absf %get3A_369 : vector<16xf32>
        %sub3A_371 = arith.subf %gather3A_364, %gather3A_366 : vector<16xf32>
        %abs3A_372 = math.absf %sub3A_371 : vector<16xf32>
        %sub3A_373 = arith.subf %gather3A_365, %gather3A_367 : vector<16xf32>
        %abs3A_374 = math.absf %sub3A_373 : vector<16xf32>
        %add3A_375 = arith.addf %abs3A_372, %abs3A_374 : vector<16xf32>
        %mul3A_376 = arith.mulf %add3A_375, %abs3A_370 : vector<16xf32>
        %add3A_377 = arith.addf %add3A_339, %mul3A_376 : vector<16xf32>
        %ge3A_378 = arith.constant 1 : i32
        %ge3A_379 = vector.broadcast %ge3A_378 : i32 to vector<16xi32>
        %ge3A_380 = arith.cmpi sge, %sub3A_351, %ge3A_379 : vector<16xi32>
        %convert_element_type3A_381 = arith.extui %ge3A_380 : vector<16xi1> to vector<16xi32>
        %add3A_382 = arith.addi %add3A_344, %convert_element_type3A_381 : vector<16xi32>
        %add3A_383 = arith.constant 16 : i32
        %add3A_384 = vector.broadcast %add3A_383 : i32 to vector<16xi32>
        %add3A_385 = arith.addi %sub3A_351, %add3A_384 : vector<16xi32>
        %mul3A_386 = arith.constant 17 : i32
        %mul3A_387 = vector.broadcast %mul3A_386 : i32 to vector<16xi32>
        %mul3A_388 = arith.muli %mul3A_387, %convert_element_type3A_381 : vector<16xi32>
        %sub3A_389 = arith.subi %add3A_385, %mul3A_388 : vector<16xi32>
        scf.yield %add3A_377, %add3A_382, %sub3A_389 : vector<16xf32>, vector<16xi32>, vector<16xi32>
      }
      %scan3A_187 = arith.constant 136 : i32
      %add3A_188 = arith.constant 3 : i32
      %add3A_189 = arith.addi %mul3A_154, %add3A_188 : i32
      %lt3A_190 = arith.constant 32 : i32
      %lt3A_191 = arith.cmpi slt, %add3A_189, %lt3A_190 : i32
      %convert_element_type3A_192 = arith.extui %lt3A_191 : i1 to i32
      %cond3A_193 = arith.constant 0 : i32
      %cond3A_194 = arith.cmpi ne, %convert_element_type3A_192, %cond3A_193 : i32
      scf.if %cond3A_194 {
        %add3A_241 = arith.constant 3 : i32
        %add3A_242 = arith.addi %mul3A_154, %add3A_241 : i32
        %add3A_243 = arith.addi %mul3A_32, %add3A_242 : i32
        %dma_start3A_244 = arith.constant 0 : i32
        %dma_start3A_245 = arith.constant 0 : i32
        %dma_start3A_246 = tpu.memref_slice %arg2[%select_n3A, %add3A_243, %dma_start3A_244, %dma_start3A_245] : memref<16x64x128x128xf32, #tpu.memory_space<hbm>> -> memref<1x1x128x128xf32, #tpu.memory_space<hbm>>
        %dma_start3A_247 = tpu.memref_squeeze %dma_start3A_246 : memref<1x1x128x128xf32, #tpu.memory_space<hbm>> -> memref<128x128xf32, #tpu.memory_space<hbm>>
        %dma_start3A_248 = arith.constant 0 : i32
        %dma_start3A_249 = arith.constant 0 : i32
        %dma_start3A_250 = tpu.memref_slice %arg2[%select_n3A, %add3A_243, %dma_start3A_248, %dma_start3A_249] : memref<16x64x128x128xf32, #tpu.memory_space<hbm>> -> memref<1x1x128x128xf32, #tpu.memory_space<hbm>>
        %dma_start3A_251 = tpu.memref_squeeze %dma_start3A_250 : memref<1x1x128x128xf32, #tpu.memory_space<hbm>> -> memref<128x128xf32, #tpu.memory_space<hbm>>
        tpu.enqueue_dma source(%dma_start3A_251 : memref<128x128xf32, #tpu.memory_space<hbm>>) target(%arg12 : memref<128x128xf32, #tpu.memory_space<vmem>>) target_semaphore(%arg16 : memref<!tpu.dma_semaphore, #tpu.memory_space<semaphore_mem>>)
      } else {
      }
      %mul3A_195 = arith.constant 3 : i32
      %mul3A_196 = arith.muli %mul3A_195, %scan3A_102 : i32
      %add3A_197 = arith.constant 2 : i32
      %add3A_198 = arith.addi %mul3A_196, %add3A_197 : i32
      %mul3A_199 = arith.constant 2 : i32
      %mul3A_200 = arith.muli %mul3A_199, %add3A_198 : i32
      %dma_wait3A_201 = arith.constant 0 : i32
      %dma_wait3A_202 = arith.constant 0 : i32
      %dma_wait3A_203 = tpu.memref_slice %arg2[%select_n3A, %mul3A_32, %dma_wait3A_201, %dma_wait3A_202] : memref<16x64x128x128xf32, #tpu.memory_space<hbm>> -> memref<1x1x128x128xf32, #tpu.memory_space<hbm>>
      %dma_wait3A_204 = tpu.memref_squeeze %dma_wait3A_203 : memref<1x1x128x128xf32, #tpu.memory_space<hbm>> -> memref<128x128xf32, #tpu.memory_space<hbm>>
      %dma_wait3A_205 = arith.constant 0 : i32
      %dma_wait3A_206 = arith.constant 0 : i32
      %dma_wait3A_207 = tpu.memref_slice %arg2[%select_n3A, %mul3A_32, %dma_wait3A_205, %dma_wait3A_206] : memref<16x64x128x128xf32, #tpu.memory_space<hbm>> -> memref<1x1x128x128xf32, #tpu.memory_space<hbm>>
      %dma_wait3A_208 = tpu.memref_squeeze %dma_wait3A_207 : memref<1x1x128x128xf32, #tpu.memory_space<hbm>> -> memref<128x128xf32, #tpu.memory_space<hbm>>
      tpu.wait_dma2 semaphore(%arg15 : memref<!tpu.dma_semaphore, #tpu.memory_space<semaphore_mem>>) src(%dma_wait3A_208 : memref<128x128xf32, #tpu.memory_space<hbm>>) dst(%arg11 : memref<128x128xf32, #tpu.memory_space<vmem>>)
      %dma_wait3A_209 = arith.constant 0 : i32
      %dma_wait3A_210 = arith.constant 0 : i32
      %dma_wait3A_211 = tpu.memref_slice %arg2[%select_n3A, %mul3A_32, %dma_wait3A_209, %dma_wait3A_210] : memref<16x64x128x128xf32, #tpu.memory_space<hbm>> -> memref<1x1x128x128xf32, #tpu.memory_space<hbm>>
      %dma_wait3A_212 = tpu.memref_squeeze %dma_wait3A_211 : memref<1x1x128x128xf32, #tpu.memory_space<hbm>> -> memref<128x128xf32, #tpu.memory_space<hbm>>
      %dma_wait3A_213 = arith.constant 0 : i32
      %dma_wait3A_214 = arith.constant 0 : i32
      %dma_wait3A_215 = tpu.memref_slice %arg2[%select_n3A, %mul3A_32, %dma_wait3A_213, %dma_wait3A_214] : memref<16x64x128x128xf32, #tpu.memory_space<hbm>> -> memref<1x1x128x128xf32, #tpu.memory_space<hbm>>
      %dma_wait3A_216 = tpu.memref_squeeze %dma_wait3A_215 : memref<1x1x128x128xf32, #tpu.memory_space<hbm>> -> memref<128x128xf32, #tpu.memory_space<hbm>>
      tpu.wait_dma2 semaphore(%arg16 : memref<!tpu.dma_semaphore, #tpu.memory_space<semaphore_mem>>) src(%dma_wait3A_216 : memref<128x128xf32, #tpu.memory_space<hbm>>) dst(%arg12 : memref<128x128xf32, #tpu.memory_space<vmem>>)
      %add3A_217 = arith.constant 2 : i32
      %add3A_218 = arith.addi %mul3A_200, %add3A_217 : i32
      %lt3A_219 = arith.constant 32 : i32
      %lt3A_220 = arith.cmpi slt, %add3A_218, %lt3A_219 : i32
      %convert_element_type3A_221 = arith.extui %lt3A_220 : i1 to i32
      %cond3A_222 = arith.constant 0 : i32
      %cond3A_223 = arith.cmpi ne, %convert_element_type3A_221, %cond3A_222 : i32
      scf.if %cond3A_223 {
        %add3A_241 = arith.constant 2 : i32
        %add3A_242 = arith.addi %mul3A_200, %add3A_241 : i32
        %add3A_243 = arith.addi %mul3A_32, %add3A_242 : i32
        %dma_start3A_244 = arith.constant 0 : i32
        %dma_start3A_245 = arith.constant 0 : i32
        %dma_start3A_246 = tpu.memref_slice %arg2[%select_n3A, %add3A_243, %dma_start3A_244, %dma_start3A_245] : memref<16x64x128x128xf32, #tpu.memory_space<hbm>> -> memref<1x1x128x128xf32, #tpu.memory_space<hbm>>
        %dma_start3A_247 = tpu.memref_squeeze %dma_start3A_246 : memref<1x1x128x128xf32, #tpu.memory_space<hbm>> -> memref<128x128xf32, #tpu.memory_space<hbm>>
        %dma_start3A_248 = arith.constant 0 : i32
        %dma_start3A_249 = arith.constant 0 : i32
        %dma_start3A_250 = tpu.memref_slice %arg2[%select_n3A, %add3A_243, %dma_start3A_248, %dma_start3A_249] : memref<16x64x128x128xf32, #tpu.memory_space<hbm>> -> memref<1x1x128x128xf32, #tpu.memory_space<hbm>>
        %dma_start3A_251 = tpu.memref_squeeze %dma_start3A_250 : memref<1x1x128x128xf32, #tpu.memory_space<hbm>> -> memref<128x128xf32, #tpu.memory_space<hbm>>
        tpu.enqueue_dma source(%dma_start3A_251 : memref<128x128xf32, #tpu.memory_space<hbm>>) target(%arg10 : memref<128x128xf32, #tpu.memory_space<vmem>>) target_semaphore(%arg14 : memref<!tpu.dma_semaphore, #tpu.memory_space<semaphore_mem>>)
      } else {
      }
      %broadcast_in_dim3A_224 = vector.broadcast %mul3A_200 : i32 to vector<16xi32>
      %add3A_225 = arith.constant 1 : i32
      %add3A_226 = vector.broadcast %add3A_225 : i32 to vector<16xi32>
      %add3A_227 = arith.addi %broadcast_in_dim3A_224, %add3A_226 : vector<16xi32>
      %scan3A_228 = arith.constant 0 : i32
      %scan3A_229 = arith.constant 136 : i32
      %scan3A_230 = arith.addi %scan3A_228, %scan3A_229 : i32
      %scan3A_231 = arith.constant 4 : i32
      %scan3A_232:3 = scf.for %scan3A_241 = %scan3A_228 to %scan3A_230 step %scan3A_231 iter_args(%scan3A_242 = %scan3A_186#0, %scan3A_243 = %broadcast_in_dim3A_52, %scan3A_244 = %iota3A) -> (vector<16xf32>, vector<16xi32>, vector<16xi32>)  : i32 {
        %mul3A_245 = arith.constant 16 : i32
        %mul3A_246 = arith.muli %scan3A_241, %mul3A_245 : i32
        %get3A = arith.index_cast %mul3A_246 : i32 to index
        %get3A_247 = tpu.vector_load %arg7[%get3A] {strides = array<i32>} : memref<2176xi32, #tpu.memory_space<vmem>>, vector<16xi32>,
        %shift_right_logical3A = arith.constant 7 : i32
        %shift_right_logical3A_248 = vector.broadcast %shift_right_logical3A : i32 to vector<16xi32>
        %shift_right_logical3A_249 = arith.shrui %get3A_247, %shift_right_logical3A_248 : vector<16xi32>
        %and3A_250 = arith.constant 127 : i32
        %and3A_251 = vector.broadcast %and3A_250 : i32 to vector<16xi32>
        %and3A_252 = arith.andi %get3A_247, %and3A_251 : vector<16xi32>
        %gather3A = tpu.vector_load_idx %arg11[%shift_right_logical3A_249, %and3A_252] : memref<128x128xf32, #tpu.memory_space<vmem>>[vector<16xi32>, vector<16xi32>], vector<16xf32>,
        %gather3A_253 = tpu.vector_load_idx %arg12[%shift_right_logical3A_249, %and3A_252] : memref<128x128xf32, #tpu.memory_space<vmem>>[vector<16xi32>, vector<16xi32>], vector<16xf32>,
        %gather3A_254 = tpu.vector_load_idx %arg9[%scan3A_243, %scan3A_244, %broadcast_in_dim3A_224] : memref<128x17x32xf32, #tpu.memory_space<vmem>>[vector<16xi32>, vector<16xi32>, vector<16xi32>], vector<16xf32>,
        %gather3A_255 = tpu.vector_load_idx %arg9[%scan3A_243, %scan3A_244, %add3A_227] : memref<128x17x32xf32, #tpu.memory_space<vmem>>[vector<16xi32>, vector<16xi32>, vector<16xi32>], vector<16xf32>,
        %get3A_256 = arith.index_cast %mul3A_246 : i32 to index
        %get3A_257 = tpu.vector_load %arg8[%get3A_256] {strides = array<i32>} : memref<2176xf32, #tpu.memory_space<vmem>>, vector<16xf32>,
        %abs3A = math.absf %get3A_257 : vector<16xf32>
        %sub3A_258 = arith.subf %gather3A, %gather3A_254 : vector<16xf32>
        %abs3A_259 = math.absf %sub3A_258 : vector<16xf32>
        %sub3A_260 = arith.subf %gather3A_253, %gather3A_255 : vector<16xf32>
        %abs3A_261 = math.absf %sub3A_260 : vector<16xf32>
        %add3A_262 = arith.addf %abs3A_259, %abs3A_261 : vector<16xf32>
        %mul3A_263 = arith.mulf %add3A_262, %abs3A : vector<16xf32>
        %add3A_264 = arith.addf %scan3A_242, %mul3A_263 : vector<16xf32>
        %ge3A = arith.constant 1 : i32
        %ge3A_265 = vector.broadcast %ge3A : i32 to vector<16xi32>
        %ge3A_266 = arith.cmpi sge, %scan3A_244, %ge3A_265 : vector<16xi32>
        %convert_element_type3A_267 = arith.extui %ge3A_266 : vector<16xi1> to vector<16xi32>
        %add3A_268 = arith.addi %scan3A_243, %convert_element_type3A_267 : vector<16xi32>
        %add3A_269 = arith.constant 16 : i32
        %add3A_270 = vector.broadcast %add3A_269 : i32 to vector<16xi32>
        %add3A_271 = arith.addi %scan3A_244, %add3A_270 : vector<16xi32>
        %mul3A_272 = arith.constant 17 : i32
        %mul3A_273 = vector.broadcast %mul3A_272 : i32 to vector<16xi32>
        %mul3A_274 = arith.muli %mul3A_273, %convert_element_type3A_267 : vector<16xi32>
        %sub3A_275 = arith.subi %add3A_271, %mul3A_274 : vector<16xi32>
        %scan3A_276 = arith.constant 1 : i32
        %scan3A_277 = arith.addi %scan3A_241, %scan3A_276 : i32
        %mul3A_278 = arith.constant 16 : i32
        %mul3A_279 = arith.muli %scan3A_277, %mul3A_278 : i32
        %get3A_280 = arith.index_cast %mul3A_279 : i32 to index
        %get3A_281 = tpu.vector_load %arg7[%get3A_280] {strides = array<i32>} : memref<2176xi32, #tpu.memory_space<vmem>>, vector<16xi32>,
        %shift_right_logical3A_282 = arith.constant 7 : i32
        %shift_right_logical3A_283 = vector.broadcast %shift_right_logical3A_282 : i32 to vector<16xi32>
        %shift_right_logical3A_284 = arith.shrui %get3A_281, %shift_right_logical3A_283 : vector<16xi32>
        %and3A_285 = arith.constant 127 : i32
        %and3A_286 = vector.broadcast %and3A_285 : i32 to vector<16xi32>
        %and3A_287 = arith.andi %get3A_281, %and3A_286 : vector<16xi32>
        %gather3A_288 = tpu.vector_load_idx %arg11[%shift_right_logical3A_284, %and3A_287] : memref<128x128xf32, #tpu.memory_space<vmem>>[vector<16xi32>, vector<16xi32>], vector<16xf32>,
        %gather3A_289 = tpu.vector_load_idx %arg12[%shift_right_logical3A_284, %and3A_287] : memref<128x128xf32, #tpu.memory_space<vmem>>[vector<16xi32>, vector<16xi32>], vector<16xf32>,
        %gather3A_290 = tpu.vector_load_idx %arg9[%add3A_268, %sub3A_275, %broadcast_in_dim3A_224] : memref<128x17x32xf32, #tpu.memory_space<vmem>>[vector<16xi32>, vector<16xi32>, vector<16xi32>], vector<16xf32>,
        %gather3A_291 = tpu.vector_load_idx %arg9[%add3A_268, %sub3A_275, %add3A_227] : memref<128x17x32xf32, #tpu.memory_space<vmem>>[vector<16xi32>, vector<16xi32>, vector<16xi32>], vector<16xf32>,
        %get3A_292 = arith.index_cast %mul3A_279 : i32 to index
        %get3A_293 = tpu.vector_load %arg8[%get3A_292] {strides = array<i32>} : memref<2176xf32, #tpu.memory_space<vmem>>, vector<16xf32>,
        %abs3A_294 = math.absf %get3A_293 : vector<16xf32>
        %sub3A_295 = arith.subf %gather3A_288, %gather3A_290 : vector<16xf32>
        %abs3A_296 = math.absf %sub3A_295 : vector<16xf32>
        %sub3A_297 = arith.subf %gather3A_289, %gather3A_291 : vector<16xf32>
        %abs3A_298 = math.absf %sub3A_297 : vector<16xf32>
        %add3A_299 = arith.addf %abs3A_296, %abs3A_298 : vector<16xf32>
        %mul3A_300 = arith.mulf %add3A_299, %abs3A_294 : vector<16xf32>
        %add3A_301 = arith.addf %add3A_264, %mul3A_300 : vector<16xf32>
        %ge3A_302 = arith.constant 1 : i32
        %ge3A_303 = vector.broadcast %ge3A_302 : i32 to vector<16xi32>
        %ge3A_304 = arith.cmpi sge, %sub3A_275, %ge3A_303 : vector<16xi32>
        %convert_element_type3A_305 = arith.extui %ge3A_304 : vector<16xi1> to vector<16xi32>
        %add3A_306 = arith.addi %add3A_268, %convert_element_type3A_305 : vector<16xi32>
        %add3A_307 = arith.constant 16 : i32
        %add3A_308 = vector.broadcast %add3A_307 : i32 to vector<16xi32>
        %add3A_309 = arith.addi %sub3A_275, %add3A_308 : vector<16xi32>
        %mul3A_310 = arith.constant 17 : i32
        %mul3A_311 = vector.broadcast %mul3A_310 : i32 to vector<16xi32>
        %mul3A_312 = arith.muli %mul3A_311, %convert_element_type3A_305 : vector<16xi32>
        %sub3A_313 = arith.subi %add3A_309, %mul3A_312 : vector<16xi32>
        %scan3A_314 = arith.constant 2 : i32
        %scan3A_315 = arith.addi %scan3A_241, %scan3A_314 : i32
        %mul3A_316 = arith.constant 16 : i32
        %mul3A_317 = arith.muli %scan3A_315, %mul3A_316 : i32
        %get3A_318 = arith.index_cast %mul3A_317 : i32 to index
        %get3A_319 = tpu.vector_load %arg7[%get3A_318] {strides = array<i32>} : memref<2176xi32, #tpu.memory_space<vmem>>, vector<16xi32>,
        %shift_right_logical3A_320 = arith.constant 7 : i32
        %shift_right_logical3A_321 = vector.broadcast %shift_right_logical3A_320 : i32 to vector<16xi32>
        %shift_right_logical3A_322 = arith.shrui %get3A_319, %shift_right_logical3A_321 : vector<16xi32>
        %and3A_323 = arith.constant 127 : i32
        %and3A_324 = vector.broadcast %and3A_323 : i32 to vector<16xi32>
        %and3A_325 = arith.andi %get3A_319, %and3A_324 : vector<16xi32>
        %gather3A_326 = tpu.vector_load_idx %arg11[%shift_right_logical3A_322, %and3A_325] : memref<128x128xf32, #tpu.memory_space<vmem>>[vector<16xi32>, vector<16xi32>], vector<16xf32>,
        %gather3A_327 = tpu.vector_load_idx %arg12[%shift_right_logical3A_322, %and3A_325] : memref<128x128xf32, #tpu.memory_space<vmem>>[vector<16xi32>, vector<16xi32>], vector<16xf32>,
        %gather3A_328 = tpu.vector_load_idx %arg9[%add3A_306, %sub3A_313, %broadcast_in_dim3A_224] : memref<128x17x32xf32, #tpu.memory_space<vmem>>[vector<16xi32>, vector<16xi32>, vector<16xi32>], vector<16xf32>,
        %gather3A_329 = tpu.vector_load_idx %arg9[%add3A_306, %sub3A_313, %add3A_227] : memref<128x17x32xf32, #tpu.memory_space<vmem>>[vector<16xi32>, vector<16xi32>, vector<16xi32>], vector<16xf32>,
        %get3A_330 = arith.index_cast %mul3A_317 : i32 to index
        %get3A_331 = tpu.vector_load %arg8[%get3A_330] {strides = array<i32>} : memref<2176xf32, #tpu.memory_space<vmem>>, vector<16xf32>,
        %abs3A_332 = math.absf %get3A_331 : vector<16xf32>
        %sub3A_333 = arith.subf %gather3A_326, %gather3A_328 : vector<16xf32>
        %abs3A_334 = math.absf %sub3A_333 : vector<16xf32>
        %sub3A_335 = arith.subf %gather3A_327, %gather3A_329 : vector<16xf32>
        %abs3A_336 = math.absf %sub3A_335 : vector<16xf32>
        %add3A_337 = arith.addf %abs3A_334, %abs3A_336 : vector<16xf32>
        %mul3A_338 = arith.mulf %add3A_337, %abs3A_332 : vector<16xf32>
        %add3A_339 = arith.addf %add3A_301, %mul3A_338 : vector<16xf32>
        %ge3A_340 = arith.constant 1 : i32
        %ge3A_341 = vector.broadcast %ge3A_340 : i32 to vector<16xi32>
        %ge3A_342 = arith.cmpi sge, %sub3A_313, %ge3A_341 : vector<16xi32>
        %convert_element_type3A_343 = arith.extui %ge3A_342 : vector<16xi1> to vector<16xi32>
        %add3A_344 = arith.addi %add3A_306, %convert_element_type3A_343 : vector<16xi32>
        %add3A_345 = arith.constant 16 : i32
        %add3A_346 = vector.broadcast %add3A_345 : i32 to vector<16xi32>
        %add3A_347 = arith.addi %sub3A_313, %add3A_346 : vector<16xi32>
        %mul3A_348 = arith.constant 17 : i32
        %mul3A_349 = vector.broadcast %mul3A_348 : i32 to vector<16xi32>
        %mul3A_350 = arith.muli %mul3A_349, %convert_element_type3A_343 : vector<16xi32>
        %sub3A_351 = arith.subi %add3A_347, %mul3A_350 : vector<16xi32>
        %scan3A_352 = arith.constant 3 : i32
        %scan3A_353 = arith.addi %scan3A_241, %scan3A_352 : i32
        %mul3A_354 = arith.constant 16 : i32
        %mul3A_355 = arith.muli %scan3A_353, %mul3A_354 : i32
        %get3A_356 = arith.index_cast %mul3A_355 : i32 to index
        %get3A_357 = tpu.vector_load %arg7[%get3A_356] {strides = array<i32>} : memref<2176xi32, #tpu.memory_space<vmem>>, vector<16xi32>,
        %shift_right_logical3A_358 = arith.constant 7 : i32
        %shift_right_logical3A_359 = vector.broadcast %shift_right_logical3A_358 : i32 to vector<16xi32>
        %shift_right_logical3A_360 = arith.shrui %get3A_357, %shift_right_logical3A_359 : vector<16xi32>
        %and3A_361 = arith.constant 127 : i32
        %and3A_362 = vector.broadcast %and3A_361 : i32 to vector<16xi32>
        %and3A_363 = arith.andi %get3A_357, %and3A_362 : vector<16xi32>
        %gather3A_364 = tpu.vector_load_idx %arg11[%shift_right_logical3A_360, %and3A_363] : memref<128x128xf32, #tpu.memory_space<vmem>>[vector<16xi32>, vector<16xi32>], vector<16xf32>,
        %gather3A_365 = tpu.vector_load_idx %arg12[%shift_right_logical3A_360, %and3A_363] : memref<128x128xf32, #tpu.memory_space<vmem>>[vector<16xi32>, vector<16xi32>], vector<16xf32>,
        %gather3A_366 = tpu.vector_load_idx %arg9[%add3A_344, %sub3A_351, %broadcast_in_dim3A_224] : memref<128x17x32xf32, #tpu.memory_space<vmem>>[vector<16xi32>, vector<16xi32>, vector<16xi32>], vector<16xf32>,
        %gather3A_367 = tpu.vector_load_idx %arg9[%add3A_344, %sub3A_351, %add3A_227] : memref<128x17x32xf32, #tpu.memory_space<vmem>>[vector<16xi32>, vector<16xi32>, vector<16xi32>], vector<16xf32>,
        %get3A_368 = arith.index_cast %mul3A_355 : i32 to index
        %get3A_369 = tpu.vector_load %arg8[%get3A_368] {strides = array<i32>} : memref<2176xf32, #tpu.memory_space<vmem>>, vector<16xf32>,
        %abs3A_370 = math.absf %get3A_369 : vector<16xf32>
        %sub3A_371 = arith.subf %gather3A_364, %gather3A_366 : vector<16xf32>
        %abs3A_372 = math.absf %sub3A_371 : vector<16xf32>
        %sub3A_373 = arith.subf %gather3A_365, %gather3A_367 : vector<16xf32>
        %abs3A_374 = math.absf %sub3A_373 : vector<16xf32>
        %add3A_375 = arith.addf %abs3A_372, %abs3A_374 : vector<16xf32>
        %mul3A_376 = arith.mulf %add3A_375, %abs3A_370 : vector<16xf32>
        %add3A_377 = arith.addf %add3A_339, %mul3A_376 : vector<16xf32>
        %ge3A_378 = arith.constant 1 : i32
        %ge3A_379 = vector.broadcast %ge3A_378 : i32 to vector<16xi32>
        %ge3A_380 = arith.cmpi sge, %sub3A_351, %ge3A_379 : vector<16xi32>
        %convert_element_type3A_381 = arith.extui %ge3A_380 : vector<16xi1> to vector<16xi32>
        %add3A_382 = arith.addi %add3A_344, %convert_element_type3A_381 : vector<16xi32>
        %add3A_383 = arith.constant 16 : i32
        %add3A_384 = vector.broadcast %add3A_383 : i32 to vector<16xi32>
        %add3A_385 = arith.addi %sub3A_351, %add3A_384 : vector<16xi32>
        %mul3A_386 = arith.constant 17 : i32
        %mul3A_387 = vector.broadcast %mul3A_386 : i32 to vector<16xi32>
        %mul3A_388 = arith.muli %mul3A_387, %convert_element_type3A_381 : vector<16xi32>
        %sub3A_389 = arith.subi %add3A_385, %mul3A_388 : vector<16xi32>
        scf.yield %add3A_377, %add3A_382, %sub3A_389 : vector<16xf32>, vector<16xi32>, vector<16xi32>
      }
      %scan3A_233 = arith.constant 136 : i32
      %add3A_234 = arith.constant 3 : i32
      %add3A_235 = arith.addi %mul3A_200, %add3A_234 : i32
      %lt3A_236 = arith.constant 32 : i32
      %lt3A_237 = arith.cmpi slt, %add3A_235, %lt3A_236 : i32
      %convert_element_type3A_238 = arith.extui %lt3A_237 : i1 to i32
      %cond3A_239 = arith.constant 0 : i32
      %cond3A_240 = arith.cmpi ne, %convert_element_type3A_238, %cond3A_239 : i32
      scf.if %cond3A_240 {
        %add3A_241 = arith.constant 3 : i32
        %add3A_242 = arith.addi %mul3A_200, %add3A_241 : i32
        %add3A_243 = arith.addi %mul3A_32, %add3A_242 : i32
        %dma_start3A_244 = arith.constant 0 : i32
        %dma_start3A_245 = arith.constant 0 : i32
        %dma_start3A_246 = tpu.memref_slice %arg2[%select_n3A, %add3A_243, %dma_start3A_244, %dma_start3A_245] : memref<16x64x128x128xf32, #tpu.memory_space<hbm>> -> memref<1x1x128x128xf32, #tpu.memory_space<hbm>>
        %dma_start3A_247 = tpu.memref_squeeze %dma_start3A_246 : memref<1x1x128x128xf32, #tpu.memory_space<hbm>> -> memref<128x128xf32, #tpu.memory_space<hbm>>
        %dma_start3A_248 = arith.constant 0 : i32
        %dma_start3A_249 = arith.constant 0 : i32
        %dma_start3A_250 = tpu.memref_slice %arg2[%select_n3A, %add3A_243, %dma_start3A_248, %dma_start3A_249] : memref<16x64x128x128xf32, #tpu.memory_space<hbm>> -> memref<1x1x128x128xf32, #tpu.memory_space<hbm>>
        %dma_start3A_251 = tpu.memref_squeeze %dma_start3A_250 : memref<1x1x128x128xf32, #tpu.memory_space<hbm>> -> memref<128x128xf32, #tpu.memory_space<hbm>>
        tpu.enqueue_dma source(%dma_start3A_251 : memref<128x128xf32, #tpu.memory_space<hbm>>) target(%arg11 : memref<128x128xf32, #tpu.memory_space<vmem>>) target_semaphore(%arg15 : memref<!tpu.dma_semaphore, #tpu.memory_space<semaphore_mem>>)
      } else {
      }
      scf.yield %scan3A_232#0 : vector<16xf32>
    }
    %scan3A_57 = arith.constant 5 : i32
    %dma_wait3A = arith.constant 0 : i32
    %dma_wait3A_58 = arith.constant 0 : i32
    %dma_wait3A_59 = tpu.memref_slice %arg2[%select_n3A, %mul3A_32, %dma_wait3A, %dma_wait3A_58] : memref<16x64x128x128xf32, #tpu.memory_space<hbm>> -> memref<1x1x128x128xf32, #tpu.memory_space<hbm>>
    %dma_wait3A_60 = tpu.memref_squeeze %dma_wait3A_59 : memref<1x1x128x128xf32, #tpu.memory_space<hbm>> -> memref<128x128xf32, #tpu.memory_space<hbm>>
    %dma_wait3A_61 = arith.constant 0 : i32
    %dma_wait3A_62 = arith.constant 0 : i32
    %dma_wait3A_63 = tpu.memref_slice %arg2[%select_n3A, %mul3A_32, %dma_wait3A_61, %dma_wait3A_62] : memref<16x64x128x128xf32, #tpu.memory_space<hbm>> -> memref<1x1x128x128xf32, #tpu.memory_space<hbm>>
    %dma_wait3A_64 = tpu.memref_squeeze %dma_wait3A_63 : memref<1x1x128x128xf32, #tpu.memory_space<hbm>> -> memref<128x128xf32, #tpu.memory_space<hbm>>
    tpu.wait_dma2 semaphore(%arg14 : memref<!tpu.dma_semaphore, #tpu.memory_space<semaphore_mem>>) src(%dma_wait3A_64 : memref<128x128xf32, #tpu.memory_space<hbm>>) dst(%arg10 : memref<128x128xf32, #tpu.memory_space<vmem>>)
    %dma_wait3A_65 = arith.constant 0 : i32
    %dma_wait3A_66 = arith.constant 0 : i32
    %dma_wait3A_67 = tpu.memref_slice %arg2[%select_n3A, %mul3A_32, %dma_wait3A_65, %dma_wait3A_66] : memref<16x64x128x128xf32, #tpu.memory_space<hbm>> -> memref<1x1x128x128xf32, #tpu.memory_space<hbm>>
    %dma_wait3A_68 = tpu.memref_squeeze %dma_wait3A_67 : memref<1x1x128x128xf32, #tpu.memory_space<hbm>> -> memref<128x128xf32, #tpu.memory_space<hbm>>
    %dma_wait3A_69 = arith.constant 0 : i32
    %dma_wait3A_70 = arith.constant 0 : i32
    %dma_wait3A_71 = tpu.memref_slice %arg2[%select_n3A, %mul3A_32, %dma_wait3A_69, %dma_wait3A_70] : memref<16x64x128x128xf32, #tpu.memory_space<hbm>> -> memref<1x1x128x128xf32, #tpu.memory_space<hbm>>
    %dma_wait3A_72 = tpu.memref_squeeze %dma_wait3A_71 : memref<1x1x128x128xf32, #tpu.memory_space<hbm>> -> memref<128x128xf32, #tpu.memory_space<hbm>>
    tpu.wait_dma2 semaphore(%arg15 : memref<!tpu.dma_semaphore, #tpu.memory_space<semaphore_mem>>) src(%dma_wait3A_72 : memref<128x128xf32, #tpu.memory_space<hbm>>) dst(%arg11 : memref<128x128xf32, #tpu.memory_space<vmem>>)
    %broadcast_in_dim3A_73 = arith.constant 30 : i32
    %broadcast_in_dim3A_74 = vector.broadcast %broadcast_in_dim3A_73 : i32 to vector<16xi32>
    %add3A_75 = arith.constant 1 : i32
    %add3A_76 = vector.broadcast %add3A_75 : i32 to vector<16xi32>
    %add3A_77 = arith.addi %broadcast_in_dim3A_74, %add3A_76 : vector<16xi32>
    %scan3A_78 = arith.constant 0 : i32
    %scan3A_79 = arith.constant 136 : i32
    %scan3A_80 = arith.addi %scan3A_78, %scan3A_79 : i32
    %scan3A_81 = arith.constant 4 : i32
    %scan3A_82:3 = scf.for %scan3A_102 = %scan3A_78 to %scan3A_80 step %scan3A_81 iter_args(%scan3A_103 = %scan3A_56, %scan3A_104 = %broadcast_in_dim3A_52, %scan3A_105 = %iota3A) -> (vector<16xf32>, vector<16xi32>, vector<16xi32>)  : i32 {
      %mul3A_106 = arith.constant 16 : i32
      %mul3A_107 = arith.muli %scan3A_102, %mul3A_106 : i32
      %get3A = arith.index_cast %mul3A_107 : i32 to index
      %get3A_108 = tpu.vector_load %arg7[%get3A] {strides = array<i32>} : memref<2176xi32, #tpu.memory_space<vmem>>, vector<16xi32>,
      %shift_right_logical3A = arith.constant 7 : i32
      %shift_right_logical3A_109 = vector.broadcast %shift_right_logical3A : i32 to vector<16xi32>
      %shift_right_logical3A_110 = arith.shrui %get3A_108, %shift_right_logical3A_109 : vector<16xi32>
      %and3A_111 = arith.constant 127 : i32
      %and3A_112 = vector.broadcast %and3A_111 : i32 to vector<16xi32>
      %and3A_113 = arith.andi %get3A_108, %and3A_112 : vector<16xi32>
      %gather3A = tpu.vector_load_idx %arg10[%shift_right_logical3A_110, %and3A_113] : memref<128x128xf32, #tpu.memory_space<vmem>>[vector<16xi32>, vector<16xi32>], vector<16xf32>,
      %gather3A_114 = tpu.vector_load_idx %arg11[%shift_right_logical3A_110, %and3A_113] : memref<128x128xf32, #tpu.memory_space<vmem>>[vector<16xi32>, vector<16xi32>], vector<16xf32>,
      %gather3A_115 = tpu.vector_load_idx %arg9[%scan3A_104, %scan3A_105, %broadcast_in_dim3A_74] : memref<128x17x32xf32, #tpu.memory_space<vmem>>[vector<16xi32>, vector<16xi32>, vector<16xi32>], vector<16xf32>,
      %gather3A_116 = tpu.vector_load_idx %arg9[%scan3A_104, %scan3A_105, %add3A_77] : memref<128x17x32xf32, #tpu.memory_space<vmem>>[vector<16xi32>, vector<16xi32>, vector<16xi32>], vector<16xf32>,
      %get3A_117 = arith.index_cast %mul3A_107 : i32 to index
      %get3A_118 = tpu.vector_load %arg8[%get3A_117] {strides = array<i32>} : memref<2176xf32, #tpu.memory_space<vmem>>, vector<16xf32>,
      %abs3A = math.absf %get3A_118 : vector<16xf32>
      %sub3A_119 = arith.subf %gather3A, %gather3A_115 : vector<16xf32>
      %abs3A_120 = math.absf %sub3A_119 : vector<16xf32>
      %sub3A_121 = arith.subf %gather3A_114, %gather3A_116 : vector<16xf32>
      %abs3A_122 = math.absf %sub3A_121 : vector<16xf32>
      %add3A_123 = arith.addf %abs3A_120, %abs3A_122 : vector<16xf32>
      %mul3A_124 = arith.mulf %add3A_123, %abs3A : vector<16xf32>
      %add3A_125 = arith.addf %scan3A_103, %mul3A_124 : vector<16xf32>
      %ge3A = arith.constant 1 : i32
      %ge3A_126 = vector.broadcast %ge3A : i32 to vector<16xi32>
      %ge3A_127 = arith.cmpi sge, %scan3A_105, %ge3A_126 : vector<16xi32>
      %convert_element_type3A_128 = arith.extui %ge3A_127 : vector<16xi1> to vector<16xi32>
      %add3A_129 = arith.addi %scan3A_104, %convert_element_type3A_128 : vector<16xi32>
      %add3A_130 = arith.constant 16 : i32
      %add3A_131 = vector.broadcast %add3A_130 : i32 to vector<16xi32>
      %add3A_132 = arith.addi %scan3A_105, %add3A_131 : vector<16xi32>
      %mul3A_133 = arith.constant 17 : i32
      %mul3A_134 = vector.broadcast %mul3A_133 : i32 to vector<16xi32>
      %mul3A_135 = arith.muli %mul3A_134, %convert_element_type3A_128 : vector<16xi32>
      %sub3A_136 = arith.subi %add3A_132, %mul3A_135 : vector<16xi32>
      %scan3A_137 = arith.constant 1 : i32
      %scan3A_138 = arith.addi %scan3A_102, %scan3A_137 : i32
      %mul3A_139 = arith.constant 16 : i32
      %mul3A_140 = arith.muli %scan3A_138, %mul3A_139 : i32
      %get3A_141 = arith.index_cast %mul3A_140 : i32 to index
      %get3A_142 = tpu.vector_load %arg7[%get3A_141] {strides = array<i32>} : memref<2176xi32, #tpu.memory_space<vmem>>, vector<16xi32>,
      %shift_right_logical3A_143 = arith.constant 7 : i32
      %shift_right_logical3A_144 = vector.broadcast %shift_right_logical3A_143 : i32 to vector<16xi32>
      %shift_right_logical3A_145 = arith.shrui %get3A_142, %shift_right_logical3A_144 : vector<16xi32>
      %and3A_146 = arith.constant 127 : i32
      %and3A_147 = vector.broadcast %and3A_146 : i32 to vector<16xi32>
      %and3A_148 = arith.andi %get3A_142, %and3A_147 : vector<16xi32>
      %gather3A_149 = tpu.vector_load_idx %arg10[%shift_right_logical3A_145, %and3A_148] : memref<128x128xf32, #tpu.memory_space<vmem>>[vector<16xi32>, vector<16xi32>], vector<16xf32>,
      %gather3A_150 = tpu.vector_load_idx %arg11[%shift_right_logical3A_145, %and3A_148] : memref<128x128xf32, #tpu.memory_space<vmem>>[vector<16xi32>, vector<16xi32>], vector<16xf32>,
      %gather3A_151 = tpu.vector_load_idx %arg9[%add3A_129, %sub3A_136, %broadcast_in_dim3A_74] : memref<128x17x32xf32, #tpu.memory_space<vmem>>[vector<16xi32>, vector<16xi32>, vector<16xi32>], vector<16xf32>,
      %gather3A_152 = tpu.vector_load_idx %arg9[%add3A_129, %sub3A_136, %add3A_77] : memref<128x17x32xf32, #tpu.memory_space<vmem>>[vector<16xi32>, vector<16xi32>, vector<16xi32>], vector<16xf32>,
      %get3A_153 = arith.index_cast %mul3A_140 : i32 to index
      %get3A_154 = tpu.vector_load %arg8[%get3A_153] {strides = array<i32>} : memref<2176xf32, #tpu.memory_space<vmem>>, vector<16xf32>,
      %abs3A_155 = math.absf %get3A_154 : vector<16xf32>
      %sub3A_156 = arith.subf %gather3A_149, %gather3A_151 : vector<16xf32>
      %abs3A_157 = math.absf %sub3A_156 : vector<16xf32>
      %sub3A_158 = arith.subf %gather3A_150, %gather3A_152 : vector<16xf32>
      %abs3A_159 = math.absf %sub3A_158 : vector<16xf32>
      %add3A_160 = arith.addf %abs3A_157, %abs3A_159 : vector<16xf32>
      %mul3A_161 = arith.mulf %add3A_160, %abs3A_155 : vector<16xf32>
      %add3A_162 = arith.addf %add3A_125, %mul3A_161 : vector<16xf32>
      %ge3A_163 = arith.constant 1 : i32
      %ge3A_164 = vector.broadcast %ge3A_163 : i32 to vector<16xi32>
      %ge3A_165 = arith.cmpi sge, %sub3A_136, %ge3A_164 : vector<16xi32>
      %convert_element_type3A_166 = arith.extui %ge3A_165 : vector<16xi1> to vector<16xi32>
      %add3A_167 = arith.addi %add3A_129, %convert_element_type3A_166 : vector<16xi32>
      %add3A_168 = arith.constant 16 : i32
      %add3A_169 = vector.broadcast %add3A_168 : i32 to vector<16xi32>
      %add3A_170 = arith.addi %sub3A_136, %add3A_169 : vector<16xi32>
      %mul3A_171 = arith.constant 17 : i32
      %mul3A_172 = vector.broadcast %mul3A_171 : i32 to vector<16xi32>
      %mul3A_173 = arith.muli %mul3A_172, %convert_element_type3A_166 : vector<16xi32>
      %sub3A_174 = arith.subi %add3A_170, %mul3A_173 : vector<16xi32>
      %scan3A_175 = arith.constant 2 : i32
      %scan3A_176 = arith.addi %scan3A_102, %scan3A_175 : i32
      %mul3A_177 = arith.constant 16 : i32
      %mul3A_178 = arith.muli %scan3A_176, %mul3A_177 : i32
      %get3A_179 = arith.index_cast %mul3A_178 : i32 to index
      %get3A_180 = tpu.vector_load %arg7[%get3A_179] {strides = array<i32>} : memref<2176xi32, #tpu.memory_space<vmem>>, vector<16xi32>,
      %shift_right_logical3A_181 = arith.constant 7 : i32
      %shift_right_logical3A_182 = vector.broadcast %shift_right_logical3A_181 : i32 to vector<16xi32>
      %shift_right_logical3A_183 = arith.shrui %get3A_180, %shift_right_logical3A_182 : vector<16xi32>
      %and3A_184 = arith.constant 127 : i32
      %and3A_185 = vector.broadcast %and3A_184 : i32 to vector<16xi32>
      %and3A_186 = arith.andi %get3A_180, %and3A_185 : vector<16xi32>
      %gather3A_187 = tpu.vector_load_idx %arg10[%shift_right_logical3A_183, %and3A_186] : memref<128x128xf32, #tpu.memory_space<vmem>>[vector<16xi32>, vector<16xi32>], vector<16xf32>,
      %gather3A_188 = tpu.vector_load_idx %arg11[%shift_right_logical3A_183, %and3A_186] : memref<128x128xf32, #tpu.memory_space<vmem>>[vector<16xi32>, vector<16xi32>], vector<16xf32>,
      %gather3A_189 = tpu.vector_load_idx %arg9[%add3A_167, %sub3A_174, %broadcast_in_dim3A_74] : memref<128x17x32xf32, #tpu.memory_space<vmem>>[vector<16xi32>, vector<16xi32>, vector<16xi32>], vector<16xf32>,
      %gather3A_190 = tpu.vector_load_idx %arg9[%add3A_167, %sub3A_174, %add3A_77] : memref<128x17x32xf32, #tpu.memory_space<vmem>>[vector<16xi32>, vector<16xi32>, vector<16xi32>], vector<16xf32>,
      %get3A_191 = arith.index_cast %mul3A_178 : i32 to index
      %get3A_192 = tpu.vector_load %arg8[%get3A_191] {strides = array<i32>} : memref<2176xf32, #tpu.memory_space<vmem>>, vector<16xf32>,
      %abs3A_193 = math.absf %get3A_192 : vector<16xf32>
      %sub3A_194 = arith.subf %gather3A_187, %gather3A_189 : vector<16xf32>
      %abs3A_195 = math.absf %sub3A_194 : vector<16xf32>
      %sub3A_196 = arith.subf %gather3A_188, %gather3A_190 : vector<16xf32>
      %abs3A_197 = math.absf %sub3A_196 : vector<16xf32>
      %add3A_198 = arith.addf %abs3A_195, %abs3A_197 : vector<16xf32>
      %mul3A_199 = arith.mulf %add3A_198, %abs3A_193 : vector<16xf32>
      %add3A_200 = arith.addf %add3A_162, %mul3A_199 : vector<16xf32>
      %ge3A_201 = arith.constant 1 : i32
      %ge3A_202 = vector.broadcast %ge3A_201 : i32 to vector<16xi32>
      %ge3A_203 = arith.cmpi sge, %sub3A_174, %ge3A_202 : vector<16xi32>
      %convert_element_type3A_204 = arith.extui %ge3A_203 : vector<16xi1> to vector<16xi32>
      %add3A_205 = arith.addi %add3A_167, %convert_element_type3A_204 : vector<16xi32>
      %add3A_206 = arith.constant 16 : i32
      %add3A_207 = vector.broadcast %add3A_206 : i32 to vector<16xi32>
      %add3A_208 = arith.addi %sub3A_174, %add3A_207 : vector<16xi32>
      %mul3A_209 = arith.constant 17 : i32
      %mul3A_210 = vector.broadcast %mul3A_209 : i32 to vector<16xi32>
      %mul3A_211 = arith.muli %mul3A_210, %convert_element_type3A_204 : vector<16xi32>
      %sub3A_212 = arith.subi %add3A_208, %mul3A_211 : vector<16xi32>
      %scan3A_213 = arith.constant 3 : i32
      %scan3A_214 = arith.addi %scan3A_102, %scan3A_213 : i32
      %mul3A_215 = arith.constant 16 : i32
      %mul3A_216 = arith.muli %scan3A_214, %mul3A_215 : i32
      %get3A_217 = arith.index_cast %mul3A_216 : i32 to index
      %get3A_218 = tpu.vector_load %arg7[%get3A_217] {strides = array<i32>} : memref<2176xi32, #tpu.memory_space<vmem>>, vector<16xi32>,
      %shift_right_logical3A_219 = arith.constant 7 : i32
      %shift_right_logical3A_220 = vector.broadcast %shift_right_logical3A_219 : i32 to vector<16xi32>
      %shift_right_logical3A_221 = arith.shrui %get3A_218, %shift_right_logical3A_220 : vector<16xi32>
      %and3A_222 = arith.constant 127 : i32
      %and3A_223 = vector.broadcast %and3A_222 : i32 to vector<16xi32>
      %and3A_224 = arith.andi %get3A_218, %and3A_223 : vector<16xi32>
      %gather3A_225 = tpu.vector_load_idx %arg10[%shift_right_logical3A_221, %and3A_224] : memref<128x128xf32, #tpu.memory_space<vmem>>[vector<16xi32>, vector<16xi32>], vector<16xf32>,
      %gather3A_226 = tpu.vector_load_idx %arg11[%shift_right_logical3A_221, %and3A_224] : memref<128x128xf32, #tpu.memory_space<vmem>>[vector<16xi32>, vector<16xi32>], vector<16xf32>,
      %gather3A_227 = tpu.vector_load_idx %arg9[%add3A_205, %sub3A_212, %broadcast_in_dim3A_74] : memref<128x17x32xf32, #tpu.memory_space<vmem>>[vector<16xi32>, vector<16xi32>, vector<16xi32>], vector<16xf32>,
      %gather3A_228 = tpu.vector_load_idx %arg9[%add3A_205, %sub3A_212, %add3A_77] : memref<128x17x32xf32, #tpu.memory_space<vmem>>[vector<16xi32>, vector<16xi32>, vector<16xi32>], vector<16xf32>,
      %get3A_229 = arith.index_cast %mul3A_216 : i32 to index
      %get3A_230 = tpu.vector_load %arg8[%get3A_229] {strides = array<i32>} : memref<2176xf32, #tpu.memory_space<vmem>>, vector<16xf32>,
      %abs3A_231 = math.absf %get3A_230 : vector<16xf32>
      %sub3A_232 = arith.subf %gather3A_225, %gather3A_227 : vector<16xf32>
      %abs3A_233 = math.absf %sub3A_232 : vector<16xf32>
      %sub3A_234 = arith.subf %gather3A_226, %gather3A_228 : vector<16xf32>
      %abs3A_235 = math.absf %sub3A_234 : vector<16xf32>
      %add3A_236 = arith.addf %abs3A_233, %abs3A_235 : vector<16xf32>
      %mul3A_237 = arith.mulf %add3A_236, %abs3A_231 : vector<16xf32>
      %add3A_238 = arith.addf %add3A_200, %mul3A_237 : vector<16xf32>
      %ge3A_239 = arith.constant 1 : i32
      %ge3A_240 = vector.broadcast %ge3A_239 : i32 to vector<16xi32>
      %ge3A_241 = arith.cmpi sge, %sub3A_212, %ge3A_240 : vector<16xi32>
      %convert_element_type3A_242 = arith.extui %ge3A_241 : vector<16xi1> to vector<16xi32>
      %add3A_243 = arith.addi %add3A_205, %convert_element_type3A_242 : vector<16xi32>
      %add3A_244 = arith.constant 16 : i32
      %add3A_245 = vector.broadcast %add3A_244 : i32 to vector<16xi32>
      %add3A_246 = arith.addi %sub3A_212, %add3A_245 : vector<16xi32>
      %mul3A_247 = arith.constant 17 : i32
      %mul3A_248 = vector.broadcast %mul3A_247 : i32 to vector<16xi32>
      %mul3A_249 = arith.muli %mul3A_248, %convert_element_type3A_242 : vector<16xi32>
      %sub3A_250 = arith.subi %add3A_246, %mul3A_249 : vector<16xi32>
      scf.yield %add3A_238, %add3A_243, %sub3A_250 : vector<16xf32>, vector<16xi32>, vector<16xi32>
    }
    %scan3A_83 = arith.constant 136 : i32
    %scan3A_84 = arith.constant 0 : i32
    %scan3A_85 = arith.constant 136 : i32
    %scan3A_86 = arith.addi %scan3A_84, %scan3A_85 : i32
    %scan3A_87 = arith.constant 1 : i32
    %scan3A_88 = scf.for %scan3A_102 = %scan3A_84 to %scan3A_86 step %scan3A_87 iter_args(%scan3A_103 = %broadcast_in_dim3A_50) -> (vector<16xf32>)  : i32 {
      %mul3A_104 = arith.constant 16 : i32
      %mul3A_105 = arith.muli %scan3A_102, %mul3A_104 : i32
      %get3A = arith.index_cast %mul3A_105 : i32 to index
      %get3A_106 = tpu.vector_load %arg8[%get3A] {strides = array<i32>} : memref<2176xf32, #tpu.memory_space<vmem>>, vector<16xf32>,
      %add3A_107 = arith.addf %scan3A_103, %get3A_106 : vector<16xf32>
      scf.yield %add3A_107 : vector<16xf32>
    }
    %scan3A_89 = arith.constant 136 : i32
    %eq3A_90 = arith.constant 0 : i32
    %eq3A_91 = arith.cmpi eq, %select_n3A_30, %eq3A_90 : i32
    %convert_element_type3A = arith.extui %eq3A_91 : i1 to i32
    %convert_element_type3A_92 = arith.sitofp %convert_element_type3A : i32 to f32
    %mul3A_93 = vector.broadcast %convert_element_type3A_92 : f32 to vector<16xf32>
    %mul3A_94 = arith.mulf %scan3A_88, %mul3A_93 : vector<16xf32>
    %swap3A = arith.constant 0 : i32
    %swap3A_95 = arith.index_cast %swap3A : i32 to index
    %swap3A_96 = arith.constant 0 : index
    %swap3A_97 = tpu.vector_load %arg13[%swap3A_95, %swap3A_96] {strides = array<i32>} : memref<2x16xf32, #tpu.memory_space<vmem>>, vector<16xf32>,
    tpu.vector_store %arg13[%swap3A_95, %swap3A_96], %scan3A_82#0 {strides = array<i32>} : memref<2x16xf32, #tpu.memory_space<vmem>>, vector<16xf32>,
    %swap3A_98 = arith.constant 1 : i32
    %swap3A_99 = arith.index_cast %swap3A_98 : i32 to index
    %swap3A_100 = arith.constant 0 : index
    %swap3A_101 = tpu.vector_load %arg13[%swap3A_99, %swap3A_100] {strides = array<i32>} : memref<2x16xf32, #tpu.memory_space<vmem>>, vector<16xf32>,
    tpu.vector_store %arg13[%swap3A_99, %swap3A_100], %mul3A_94 {strides = array<i32>} : memref<2x16xf32, #tpu.memory_space<vmem>>, vector<16xf32>,
    "tpu.region"() ({
      %run_scoped3A = tpu.sem_alloc : memref<!tpu.dma_semaphore, #tpu.memory_space<semaphore_mem>>
      %dma_start3A_102 = arith.constant 0 : i32
      %dma_start3A_103 = arith.constant 0 : i32
      %dma_start3A_104 = tpu.memref_slice %arg6[%arg0, %arg1, %dma_start3A_102, %dma_start3A_103] : memref<2x16x2x16xf32, #tpu.memory_space<hbm>> -> memref<1x1x2x16xf32, #tpu.memory_space<hbm>>
      %dma_start3A_105 = tpu.memref_squeeze %dma_start3A_104 : memref<1x1x2x16xf32, #tpu.memory_space<hbm>> -> memref<2x16xf32, #tpu.memory_space<hbm>>
      %dma_start3A_106 = arith.constant 0 : i32
      %dma_start3A_107 = arith.constant 0 : i32
      %dma_start3A_108 = tpu.memref_slice %arg6[%arg0, %arg1, %dma_start3A_106, %dma_start3A_107] : memref<2x16x2x16xf32, #tpu.memory_space<hbm>> -> memref<1x1x2x16xf32, #tpu.memory_space<hbm>>
      %dma_start3A_109 = tpu.memref_squeeze %dma_start3A_108 : memref<1x1x2x16xf32, #tpu.memory_space<hbm>> -> memref<2x16xf32, #tpu.memory_space<hbm>>
      tpu.enqueue_dma source(%arg13 : memref<2x16xf32, #tpu.memory_space<vmem>>) target(%dma_start3A_109 : memref<2x16xf32, #tpu.memory_space<hbm>>) target_semaphore(%run_scoped3A : memref<!tpu.dma_semaphore, #tpu.memory_space<semaphore_mem>>)
      %dma_wait3A_110 = arith.constant 0 : i32
      %dma_wait3A_111 = arith.constant 0 : i32
      %dma_wait3A_112 = tpu.memref_slice %arg6[%arg0, %arg1, %dma_wait3A_110, %dma_wait3A_111] : memref<2x16x2x16xf32, #tpu.memory_space<hbm>> -> memref<1x1x2x16xf32, #tpu.memory_space<hbm>>
      %dma_wait3A_113 = tpu.memref_squeeze %dma_wait3A_112 : memref<1x1x2x16xf32, #tpu.memory_space<hbm>> -> memref<2x16xf32, #tpu.memory_space<hbm>>
      %dma_wait3A_114 = arith.constant 0 : i32
      %dma_wait3A_115 = arith.constant 0 : i32
      %dma_wait3A_116 = tpu.memref_slice %arg6[%arg0, %arg1, %dma_wait3A_114, %dma_wait3A_115] : memref<2x16x2x16xf32, #tpu.memory_space<hbm>> -> memref<1x1x2x16xf32, #tpu.memory_space<hbm>>
      %dma_wait3A_117 = tpu.memref_squeeze %dma_wait3A_116 : memref<1x1x2x16xf32, #tpu.memory_space<hbm>> -> memref<2x16xf32, #tpu.memory_space<hbm>>
      tpu.wait_dma2 semaphore(%run_scoped3A : memref<!tpu.dma_semaphore, #tpu.memory_space<semaphore_mem>>) src(%arg13 : memref<2x16xf32, #tpu.memory_space<vmem>>) dst(%dma_wait3A_117 : memref<2x16xf32, #tpu.memory_space<hbm>>)
      tpu.yield
    }) : () -> ()
    return
  }
}

</mosaic_0001>

<sc_bundles>
// kernel: kernel.3.cloned.1.call-start
scs
__scs_entry_jumppad:
0x0: {  	(pc) =	sbr.rel $0x88, $3  }
0x1: {  	(tag) =	ssettag $0x0;
	lr =	simm.s32 $0x1  }
0x2: {  	[smem:$0x3F9D] =	sst lr;
	_ =	strace $0xD0000000  }
0x3: {  	_ = 	snop  }
0x4: {  	_ = 	snop  }
0x5: {  	_ = 	snop  }
0x6: {  	_ = 	snop  }
0x7: {  	_ = 	snop  }
__scs_overlays_trampoline_lowered:
0x8: {  	[smem:$0x3FAC] =	sst s0  }
0x9: {  	[smem:$0x3FAD] =	sst s1  }
0xa: {  	[smem:$0x3FAE] =	sst s2  }
0xb: {  	[smem:$0x3FAF] =	sst s3  }
0xc: {  	[smem:$0x3FB0] =	sst s4  }
0xd: {  	[smem:$0x3FB1] =	sst s5  }
0xe: {  	[smem:$0x3FB2] =	sst s6  }
0xf: {  	[smem:$0x3FB3] =	sst s7  }
0x10: {  	[smem:$0x3FB4] =	sst s8  }
0x11: {  	[smem:$0x3FB5] =	sst s9;
	s0 =	simm.s32 @!p0 $0x0  }
0x12: {  	s1 =	sld [smem:$0x3F9B];
	s0 =	simm.s32 @p0 $0x1  }
0x13: {  	[smem:$0x3FB6] =	sst s0;
	s0 =	simm.s32 @!p1 $0x0  }
0x14: {  	s2 =	sld [smem:$0x3F9A];
	s0 =	simm.s32 @p1 $0x1  }
0x15: {  	[smem:$0x3FB7] =	sst s0;
	s0 =	simm.s32 @!p2 $0x0  }
0x16: {  	s3 =	sld [smem:$0x3FDB];
	s0 =	simm.s32 @p2 $0x1  }
0x17: {  	s4 =	simm.s32 $0x1BF5;
	[smem:$0x3FB9] =	sst s0  }
0x18: {  	s0 =	sld [smem:$0x3F9C];
	_ =	swait.ge [sflag:s4], $0x0  }
0x19: {  	s7 =	sld [smem:$0x3F9D]  }
0x1a: {  	s8 =	sadd.s32 $0xFFFFE003, lr  }
0x1b: {  	s9 =	sadd.s32 $0xFFFFFEF7, lr;
	s5 =	simm.s32 $0xFFFFFFFF;
	p2 =	slt.u32 s8, $0xFFFFF086  }
0x1c: {  	p1 =	slt.u32 s9, $0xF7A;
	s5 =	simm.s32 @!p2 $0x0  }
0x1d: {  	s5 =	simm.s32 @p1 $0x1;
	p0 =	seq.s32 s7, s2  }
0x1e: {  	s7 =	smul.u32 @!p0 $0xF7A, s2;
	p2 =	seq.s32 @!p0 s5, $0x0  }
0x1f: {  	s9 =	smul.u32 $0xF7A, s1;
	s8 =	simm.s32 @!p0 $0x1BF5;
	p2 =	por !p2, p0  }
0x20: {  	[sflag:s8] =	ssyncset.s32 @!p0 $0xFFFFF086;
	s6 =	sadd.s32 @!p0 s3, s7;
	s7 =	simm.s32 @!p0 $0x108  }
0x21: {  	s3 =	sadd.s32 s3, s9;
	s6 =	sadd.s32 @!p0 $0x88, s6;
	s7 =	simm.s32 @p2 $0x1082  }
0x22: {  	[simem:s7], [sflag:s8] =	dma.local @!p0 [hbm:s6], $0xF7A  }
0x23: {  	s9 =	sor.u32 $0xD0000000, s2;
	s6 =	simm.s32 $0x108;
	_ =	swait.ge @!p0 [sflag:s8], $0x0  }
0x24: {  	s3 =	sadd.s32 $0x88, s3;
	s6 =	simm.s32 @!p1 $0x1082;
	[sflag:s4] =	ssyncset.s32 $0xFFFFF086  }
0x25: {  	[simem:s6], [sflag:s4] =	dma.local [hbm:s3], $0xF7A  }
0x26: {  	[smem:$0x3F9D] =	sst s1;
	(tag) =	ssettag s2;
	_ =	strace s9  }
0x27: {  	s1 =	sld [smem:$0x3FAD]  }
0x28: {  	s2 =	sld [smem:$0x3FAE]  }
0x29: {  	s4 =	sld [smem:$0x3FB0]  }
0x2a: {  	p0 =	seq.s32 s5, $0x0;
	s5 =	sld [smem:$0x3FB1]  }
0x2b: {  	s6 =	sld [smem:$0x3FB2]  }
0x2c: {  	s7 =	sld [smem:$0x3FB3]  }
0x2d: {  	s3 =	simm.s32 $0x108;
	s8 =	sld [smem:$0x3FB4]  }
0x2e: {  	s3 =	simm.s32 @!p0 $0x1082;
	s9 =	sld [smem:$0x3FB5]  }
0x2f: {  	lr =	sadd.s32 s0, s3;
	s0 =	sld [smem:$0x3FAC]  }
0x30: {  	s3 =	sld [smem:$0x3FAF]  }
0x31: {  	[smem:$0x3FB8] =	sst s10  }
0x32: {  	s10 =	sld [smem:$0x3FB6];
	_ =	sdelay $0x3  }
0x33: {  	p0 =	seq.s32 s10, $0x1;
	s10 =	sld [smem:$0x3FB8];
	_ =	sdelay $0x3  }
0x34: {  	[smem:$0x3FB8] =	sst s10  }
0x35: {  	s10 =	sld [smem:$0x3FB7];
	_ =	sdelay $0x3  }
0x36: {  	p1 =	seq.s32 s10, $0x1;
	s10 =	sld [smem:$0x3FB8];
	_ =	sdelay $0x3  }
0x37: {  	[smem:$0x3FB8] =	sst s10  }
0x38: {  	s10 =	sld [smem:$0x3FB9]  }
0x39: {  	_ = 	snop;
	(pc) =	sbr.ind lr, $3  }
0x3a: {  	_ = 	snop  }
0x3b: {  	_ = 	snop  }
0x3c: {  	p2 =	seq.s32 s10, $0x1;
	s10 =	sld [smem:$0x3FB8]  }
0x3d: {  	_ =	shalt  }
0x3e: {  	_ =	shalt  }
0x3f: {  	_ =	shalt  }
0x40: {  	_ =	shalt  }
0x41: {  	_ =	shalt  }
0x42: {  	_ =	shalt  }
0x43: {  	_ =	shalt  }
0x44: {  	_ =	shalt  }
0x45: {  	_ =	shalt  }
0x46: {  	_ =	shalt  }
0x47: {  	_ =	shalt  }
0x48: {  	_ =	shalt  }
0x49: {  	_ =	shalt  }
0x4a: {  	_ =	shalt  }
0x4b: {  	_ =	shalt  }
0x4c: {  	_ =	shalt  }
0x4d: {  	_ =	shalt  }
0x4e: {  	_ =	shalt  }
0x4f: {  	_ =	shalt  }
0x50: {  	_ =	shalt  }
0x51: {  	_ =	shalt  }
0x52: {  	_ =	shalt  }
0x53: {  	_ =	shalt  }
0x54: {  	_ =	shalt  }
0x55: {  	_ =	shalt  }
0x56: {  	_ =	shalt  }
0x57: {  	_ =	shalt  }
0x58: {  	_ =	shalt  }
0x59: {  	_ =	shalt  }
0x5a: {  	_ =	shalt  }
0x5b: {  	_ =	shalt  }
0x5c: {  	_ =	shalt  }
0x5d: {  	_ =	shalt  }
0x5e: {  	_ =	shalt  }
0x5f: {  	_ =	shalt  }
0x60: {  	_ =	shalt  }
0x61: {  	_ =	shalt  }
0x62: {  	_ =	shalt  }
0x63: {  	_ =	shalt  }
0x64: {  	_ =	shalt  }
0x65: {  	_ =	shalt  }
0x66: {  	_ =	shalt  }
0x67: {  	_ =	shalt  }
0x68: {  	_ =	shalt  }
0x69: {  	_ =	shalt  }
0x6a: {  	_ =	shalt  }
0x6b: {  	_ =	shalt  }
0x6c: {  	_ =	shalt  }
0x6d: {  	_ =	shalt  }
0x6e: {  	_ =	shalt  }
0x6f: {  	_ =	shalt  }
0x70: {  	_ =	shalt  }
0x71: {  	_ =	shalt  }
0x72: {  	_ =	shalt  }
0x73: {  	_ =	shalt  }
0x74: {  	_ =	shalt  }
0x75: {  	_ =	shalt  }
0x76: {  	_ =	shalt  }
0x77: {  	_ =	shalt  }
0x78: {  	_ =	shalt  }
0x79: {  	_ =	shalt  }
0x7a: {  	_ =	shalt  }
0x7b: {  	_ =	shalt  }
0x7c: {  	_ =	shalt  }
0x7d: {  	_ =	shalt  }
0x7e: {  	_ =	shalt  }
0x7f: {  	_ =	shalt  }
0x80: {  	_ =	shalt  }
0x81: {  	_ =	shalt  }
0x82: {  	_ =	shalt  }
0x83: {  	_ =	shalt  }
0x84: {  	_ =	shalt  }
0x85: {  	_ =	shalt  }
0x86: {  	_ =	shalt  }
0x87: {  	_ =	shalt  }
.Lfunc_end0:
.L_simem_size_0:
called_computation_lowered:
.L_overlay_start_0:
0x88: {  	s2 =	sld [smem:$0x3FD9]  }
0x89: {  	s3 =	sld [smem:$0x3FFE];
	_ =	sdelay $0x1  }
0x8a: {  	s1 =	srdreg.scid  }
0x8b: {  	s0 =	sand.u32 $0x1, s1  }
0x8c: {  	s17 =	sshll.u32 s0, $0xA;
	s2 =	sadd.s32 s3, s2  }
0x8d: {  	s2 =	sadd.s32 s2, s17  }
0x8e: {  	[smem:$0x3FC4] =	sst s2  }
0x8f: {  	_ = 	snop  }
0x90: {  	s2 =	sld [smem:$0x3FC9];
	(tm) =	ssettm $0x1  }
0x91: {  	s18 =	sld [smem:$0x3FFB];
	_ =	sdelay $0x3  }
0x92: {  	_ =	strace s18  }
0x93: {  	s3 =	sld [smem:$0x3FFC];
	_ =	sdelay $0x3  }
0x94: {  	_ =	strace s3  }
0x95: {  	s3 =	sld [smem:$0x3FFD];
	_ =	sdelay $0x3  }
0x96: {  	_ =	strace s3  }
0x97: {  	_ =	strace $0x8FFFFFFF  }
0x98: {  	s19 =	sld [smem:$0x3FDB];
	_ =	sdelay $0x1  }
0x99: {  	s4 =	simm.s32 $_scs_section_size  }
0x9a: {  	s5 =	simm.s32 $_size__tile_overlayer_lowered;
	s6 =	simm.s32 $_tile_overlayer_lowered  }
0x9b: {  	s22 =	simm.s32 $0x1BFF;
	s21 =	sshll.u32 s6, $0x1;
	s3 =	sadd.s32 s4, s19  }
0x9c: {  	s7 =	simm.s32 $0x0;
	s20 =	sshll.u32 s5, $0x1;
	s5 =	sadd.s32 s21, s3  }
0x9d: {  	[timem:s7], [sflag:s22] =	dma.local [hbm:s5], s20  }
0x9e: {  	_ =	swait.ge [sflag:s22], s20  }
0x9f: {  	s4 =	ssub.s32 $0x0, s20;
	[sflag:s22] =	ssyncset.done $0x0  }
0xa0: {  	[sflag:s22] =	ssyncadd.s32 s4;
	_ =	sdelay $0x1  }
0xa1: {  	s23 =	simm.s32 $0x1B8B  }
0xa2: {  	_ =	swait.ge [sflag:s23], $0x1  }
0xa3: {  	[sflag:s23] =	ssyncset.done $0x0  }
0xa4: {  	s25 =	simm.s32 $0x1B8E;
	s24 =	sld [smem:$0x3FFE];
	[sflag:s23] =	ssyncadd.s32 $0xFFFFFFFF  }
0xa5: {  	s26 =	simm.s32 $execute0_lowered;
	[smem:$0x3FD2] =	sst s25  }
0xa6: {  	s5 =	sshll.u32 s26, $0x1;
	_ =	strace $0x80000046;
	[dreg:$0x1] =	wrdreg $0xFFFFFFFF  }
0xa7: {  	s28 =	simm.s32 $_size_execute0_lowered;
	s3 =	sadd.s32 s3, s5;
	[dreg:$0x0] =	wrdreg $0x0  }
0xa8: {  	s5 =	sshll.u32 s28, $0x1;
	[dreg:$0x2] =	wrdreg s3  }
0xa9: {  	[dreg:$0x3] =	wrdreg s5  }
0xaa: {  	[dreg:$0x4] =	wrdreg $0xC0  }
0xab: {  	_ =	task [dreg:s7], $0x5FFFF  }
0xac: {  	[dreg:$0x1] =	wrdreg $0xFFFFFFFF  }
0xad: {  	[dreg:$0x0] =	wrdreg $0x60  }
0xae: {  	[dreg:$0x2] =	wrdreg s2  }
0xaf: {  	[dreg:$0x3] =	wrdreg s24  }
0xb0: {  	[dreg:$0x4] =	wrdreg $0x9  }
0xb1: {  	_ =	task.clear_ibuf [dreg:s7], $0x5FFFF;
	_ =	strace $0x90000046  }
0xb2: {  	s29 =	simm.s32 $0x9;
	_ =	strace $0x80000048  }
0xb3: {  	_ =	swait.ge [sflag:s29], $0x1  }
0xb4: {  	[sflag:s29] =	ssyncadd.s32 $0xFFFFFFFF  }
0xb5: {  	_ =	strace $0x90000048  }
0xb6: {  	_ =	sfence  }
0xb7: {  	s30 =	sld [smem:$0x0];
	_ =	sdelay $0x2  }
0xb8: {  	s31 =	sshll.u32 s1, $0xD;
	s1 =	sshrl.u32 s1, $0x2  }
0xb9: {  	s3 =	sand.u32 $0x4000, s31;
	s1 =	sadd.s32 s1, s30  }
0xba: {  	s0 =	sor.u32 s3, s0;
	s1 =	sshll.u32 s1, $0x11  }
0xbb: {  	s0 =	sor.u32 s1, s0  }
0xbc: {  	s0 =	sadd.s32 $0x8F2B, s0  }
0xbd: {  	[sflag:s0] =	ssyncadd.remote.s32 $0x1  }
0xbe: {  	_ =	sfence.sel $0xFFFF  }
0xbf: {  	[dreg:$0x0] =	wrdreg $0xFFFFFFFF;
	(pc) =	sbr.abs _section_cstart, $3  }
0xc0: {  	[dreg:$0x1] =	wrdreg $0xFFFFFFFF  }
0xc1: {  	_ =	task.clear_ibuf [dreg:s7], $0x2FFFF;
	_ =	strace $0x9FFFFFFF  }
0xc2: {  	(tm) =	ssettm $0x7FFFFFFF  }
0xc3: {  	_ =	shalt  }
tec
execute0_lowered:
.L_overlay_start_1:
0x0: {  	(tag) =	ssettag $0x1  }
0x1: {  	s0 =	srdreg.scid  }
0x2: {  	s6 =	stileid.u32;
	s3 =	simm.s32 $0x1;
	s2 =	rddreg [dreg:$0x0]  }
0x3: {  	s9 =	rddreg [dreg:$0x1];
	s19 =	simm.s32 $0x16100;
	s22 =	simm.s32 $0x1100  }
0x4: {  	s23 =	simm.s32 $0x4;
	s25 =	simm.s32 $0x2;
	s0 =	sand.u32 $0x1, s0  }
0x5: {  	s26 =	simm.s32 $0x1A100;
	s28 =	simm.s32 $0x3;
	s1 =	sshll.u32 s0, $0x4  }
0x6: {  	s29 =	simm.s32 $0x1E100;
	s16 =	sand.u32 $0x1, s6;
	s1 =	sor.u32 s6, s1  }
0x7: {  	s30 =	simm.s32 $0x0;
	p1 =	seq.s32 s16, $0x1;
	p0 =	seq.s32 s1, $0x0  }
0x8: {  	s7 =	sshll.u32 s16, $0x13;
	s8 =	ssub.s32 $0x2, s0;
	p0 =	por !p0, !p1  }
0x9: {  	s0 =	sshll.u32 s0, $0x6;
	s6 =	sshll.u32 s6, $0x2;
	p0 =	por !p0, !p0  }
0xa: {  	s10 =	sshrl.u32 s8, $0x1;
	s1 =	sshrl.u32 s1, $0x1;
	s3 =	simm.s32 @!p0 $0x0  }
0xb: {  	s17 =	sadd.s32 s6, s9;
	s6 =	sshll.u32 s16, $0x5;
	s1 =	ssub.s32 s1, s3  }
0xc: {  	s18 =	ssub.s32 s8, s10;
	s12 =	sor.u32 $0x3, s6;
	s4 =	smul.u32 $0x880, s1  }
0xd: {  	s13 =	sor.u32 $0x5, s6;
	s14 =	sor.u32 $0x6, s6;
	s15 =	sor.u32 $0x7, s6  }
0xe: {  	s0 =	sadd.s32 s0, s17;
	s17 =	smax.u32 s18, $0x1;
	s5 =	sshrl.u32 s4, $0x3  }
0xf: {  	s11 =	sadd.s32 s5, s9;
	s5 =	sshll.u32 s1, $0x14;
	s1 =	smul.u32 $0x22000, s1  }
0x10: {  	s18 =	simm.s32 $0x12100;
	p0 =	seq.s32 s16, $0x0;
	s3 =	simm.s32 $0x0  }
0x11: {  	s16 =	sadd.s32 $0x46400, s0;
	[smem:$0x7FF] =	sst s3;
	s1 =	sor.u32 s6, s1  }
0x12: {  	_ =	strace $0x80000047;
	s7 =	sor.u32 s7, s5;
	s1 =	sshrl.u32 s1, $0x3  }
0x13: {  	s7 =	sshrl.u32 s7, $0x3;
	s9 =	sadd.s32 s9, s1;
	s1 =	simm.f32 $1.000000000e+00  }
0x14: {  	s4 =	simm.s32 $0x1;
	s7 =	sadd.s32 s2, s7;
	s1 =	simm.s32 @!p0 $0x0  }
0x15: {  	v1 =	vimm.s32 $0x0;
	s10 =	sadd.s32 $0x45200, s11;
	s11 =	sadd.s32 $0x44000, s11;
	s8 =	sadd.s32 $0x800, s7;
	v0 =	vmov s1  }
.LBB2_1:
0x16: {  	[tilespmem:s18], [sflag:$0x1] =	stream.linear.gather [hbm4b:s7+s3], $0x4000, $0x38;
	[tilespmem:$0x1E120] =	vst v63  }
0x17: {  	_ = 	snop  }
0x18: {  	[tilespmem:s19], [sflag:$0x2] =	stream.linear.gather [hbm4b:s8+s3], $0x4000, $0x38;
	[tilespmem:$0x1E120] =	vst v63  }
0x19: {  	s0 =	simm.s32 $0x20;
	s1 =	simm.s32 $0x40  }
0x1a: {  	[tilespmem:s22], [sflag:$0x4] =	stream.strided.gather [hbm4b:s9+s0], $0x11000, s1, s0, $0x38;
	[tilespmem:$0x1E120] =	vst v63  }
0x1b: {  	_ =	swait.ge [sflag:s23], $0x11000  }
0x1c: {  	[sflag:s23] =	ssyncset.done $0x0  }
0x1d: {  	[sflag:s23] =	ssyncadd.s32 $0xFFFEF000  }
0x1e: {  	[tilespmem:s3], [sflag:$0x4] =	stream.linear.gather [hbm4b:s10+s3], $0x880, $0x38;
	[tilespmem:$0x1E120] =	vst v63  }
0x1f: {  	_ =	swait.ge [sflag:s23], $0x880  }
0x20: {  	[sflag:s23] =	ssyncset.done $0x0  }
0x21: {  	s24 =	simm.s32 $0x880;
	[sflag:s23] =	ssyncadd.s32 $0xFFFFF780  }
0x22: {  	[tilespmem:s24], [sflag:$0x4] =	stream.linear.gather [hbm4b:s11+s3], $0x880, $0x38;
	[tilespmem:$0x1E120] =	vst v63  }
0x23: {  	_ =	swait.ge [sflag:s23], $0x880  }
0x24: {  	[sflag:s23] =	ssyncset.done $0x0  }
0x25: {  	v2 =	vimm.f32 $0.0e+00;
	s31 =	simm.s32 $0x0;
	[sflag:s23] =	ssyncadd.s32 $0xFFFFF780  }
.LBB2_2:
0x26: {  	s1 =	smul.u32 $0x6, s31;
	_ =	sdelay $0x1  }
0x27: {  	_ =	swait.ge [sflag:s4], $0x4000;
	s20 =	sadd.s32 $0x2, s1  }
0x28: {  	[sflag:s4] =	ssyncset.done $0x0;
	s0 =	sadd.s32 s6, s20  }
0x29: {  	v6 =	vimm.s32 $0x0;
	v3 =	vlaneseq.u32;
	[sflag:s4] =	ssyncadd.s32 $0xFFFFC000;
	s0 =	sshll.u32 s0, $0xE  }
0x2a: {  	v7 =	vmul.u32 $0x220, v6;
	vm0 =	vgt.s32 v3, $0x0;
	v4 =	vmov s1;
	_ =	swait.ge [sflag:s25], $0x4000;
	s0 =	sadd.s32 s5, s0  }
0x2b: {  	v8 =	vsel vm0, $0xFFFFFFEF, v1;
	v5 =	vand.u32 $0x38, v4;
	[sflag:s25] =	ssyncset.done $0x0;
	s0 =	sshrl.u32 s0, $0x3  }
0x2c: {  	s21 =	simm.s32 $0x20;
	v9 =	vshll.u32 v3, $0x5;
	v3 =	vadd.s32 v8, v3;
	v7 =	vadd.s32 v5, v7;
	[sflag:s25] =	ssyncadd.s32 $0xFFFFC000;
	s0 =	sadd.s32 s2, s0  }
0x2d: {  	v4 =	vand.u32 $0x6, v4;
	v8 =	vadd.s32 $0x10, v3;
	v7 =	vadd.s32 v9, v7;
	[tilespmem:s26], [sflag:$0x3] =	stream.linear.gather [hbm4b:s0+s3], $0x4000, $0x38;
	[tilespmem:$0x1E120] =	vst v63  }
0x2e: {  	vm1 =	vgt.s32 v8, $0x0;
	v9 =	vor.u32 v4, v7;
	s0 =	simm.s32 $0x8A0;
	v11 =	vld [tilespmem:s21+$0xFFFFFFE0]  }
0x2f: {  	v10 =	vsel vm1, $0xFFFFFFEF, v1;
	v13 =	vld [tilespmem:s0+$0x10]  }
0x30: {  	v12 =	vsel vm0, $0x1, v1;
	v3 =	vor.u32 $0x1, v4;
	v10 =	vadd.s32 v10, v8;
	v15 =	vld [tilespmem:s0+$0xFFFFFFF0]  }
0x31: {  	v6 =	vadd.s32 v12, v6;
	v7 =	vor.u32 v3, v7;
	v10 =	vadd.s32 $0x10, v10;
	v17 =	vld [tilespmem:s21+$0x10]  }
0x32: {  	v14 =	vsel vm1, $0x1, v1;
	v8 =	vshll.u32 v8, $0x5;
	vm12 =	vgt.s32 v10, $0x0;
	v18 =	vld [tilespmem:s21+$0xFFFFFFF0]  }
0x33: {  	v8 =	vadd.s32 v5, v8;
	v12 =	vsel vm12, $0xFFFFFFEF, v1;
	v16 =	vld.idx.msk [tilespmem:v9+s22+$0x0], $0xffff;
	v9 =	vadd.s32 v14, v6  }
0x34: {  	v22 =	vld [tilespmem:s0+$0x0];
	v14 =	vsel vm12, $0x1, v1;
	v12 =	vadd.s32 v12, v10;
	v10 =	vshll.u32 v10, $0x5  }
0x35: {  	v25 =	vld [tilespmem:s21+$0x0];
	v6 =	vmul.u32 $0x220, v6;
	v14 =	vadd.s32 v14, v9;
	v12 =	vadd.s32 $0x10, v12  }
0x36: {  	v7 =	vld.idx.msk [tilespmem:v7+s22+$0x0], $0xffff;
	v10 =	vadd.s32 v5, v10;
	v23 =	vmul.u32 $0x220, v9;
	v19 =	vmul.u32 $0x220, v14  }
0x37: {  	v20 =	vshll.u32 v12, $0x5;
	v6 =	vadd.s32 v6, v8;
	vm13 =	vgt.s32 v12, $0x0;
	v8 =	vld [tilespmem:s0+$0xFFFFFFE0]  }
0x38: {  	v20 =	vadd.s32 v5, v20;
	v24 =	vor.u32 v4, v6;
	v9 =	vsel vm13, $0x1, v1;
	v21 =	vld.idx.msk [tilespmem:v11+s18+$0x0], $0xffff  }
0x39: {  	v26 =	vor.u32 v3, v6;
	v6 =	vsel vm13, $0xFFFFFFEF, v1;
	v19 =	vadd.s32 v19, v20;
	v11 =	vld.idx.msk [tilespmem:v11+s19+$0x0], $0xffff  }
0x3a: {  	v27 =	vadd.s32 v9, v14;
	v6 =	vadd.s32 v6, v12;
	v20 =	vor.u32 v4, v19;
	v9 =	vld.idx.msk [tilespmem:v17+s19+$0x0], $0xffff  }
0x3b: {  	v12 =	vadd.s32 v23, v10;
	v19 =	vor.u32 v3, v19;
	v14 =	vmul.u32 $0x220, v27;
	v28 =	vld.idx.msk [tilespmem:v17+s18+$0x0], $0xffff  }
0x3c: {  	v23 =	vadd.s32 $0x10, v6;
	v6 =	vand.u32 $0x7FFFFFFF, v22;
	v22 =	vor.u32 v3, v12;
	v10 =	vld.idx.msk [tilespmem:v18+s19+$0x0], $0xffff  }
0x3d: {  	v17 =	vor.u32 v4, v12;
	v29 =	vld.idx.msk [tilespmem:v18+s18+$0x0], $0xffff;
	vm14 =	vgt.s32 v23, $0x0;
	v14 =	vadd.s32 v5, v14  }
0x3e: {  	v31 =	vld.idx.msk [tilespmem:v24+s22+$0x0], $0xffff;
	v16 =	vsub.f32 v21, v16;
	v7 =	vsub.f32 v11, v7;
	v11 =	vshll.u32 v23, $0x5  }
0x3f: {  	v30 =	vld.idx.msk [tilespmem:v20+s22+$0x0], $0xffff;
	v21 =	vand.u32 $0x7FFFFFFF, v8;
	v8 =	vand.u32 $0x7FFFFFFF, v13;
	v13 =	vsel vm14, $0x1, v1  }
0x40: {  	v12 =	vld.idx.msk [tilespmem:v19+s22+$0x0], $0xffff;
	v11 =	vadd.s32 v11, v14;
	v18 =	vand.u32 $0x7FFFFFFF, v7;
	v16 =	vand.u32 $0x7FFFFFFF, v16  }
0x41: {  	v20 =	vld.idx.msk [tilespmem:v26+s22+$0x0], $0xffff;
	v7 =	vand.u32 $0x7FFFFFFF, v15;
	v15 =	vadd.f32 v18, v16;
	v16 =	vsel vm14, $0xFFFFFFEF, v1  }
0x42: {  	v22 =	vld.idx.msk [tilespmem:v22+s22+$0x0], $0xffff;
	v19 =	vadd.s32 v13, v27;
	v14 =	vor.u32 v4, v11;
	v23 =	vadd.s32 v16, v23  }
0x43: {  	v17 =	vld.idx.msk [tilespmem:v17+s22+$0x0], $0xffff;
	v11 =	vor.u32 v3, v11;
	v13 =	vsub.f32 v29, v31;
	v24 =	vadd.s32 $0x10, v23  }
0x44: {  	v16 =	vmul.f32 v15, v21;
	v21 =	vld.idx.msk [tilespmem:v25+s18+$0x0], $0xffff;
	v15 =	vsub.f32 v28, v30;
	vm15 =	vgt.s32 v24, $0x0  }
0x45: {  	s24 =	simm.s32 $0x4;
	s21 =	simm.s32 $0x60;
	v18 =	vld.idx.msk [tilespmem:v25+s19+$0x0], $0xffff;
	v23 =	vshll.u32 v24, $0x5;
	v25 =	vsel vm15, $0x1, v1;
	v26 =	vsel vm15, $0xFFFFFFEF, v1  }
.LBB2_3:
0x46: {  	s24 =	sadd.s32 $0x4, s24;
	v23 =	vadd.s32 v5, v23;
	v24 =	vadd.s32 v26, v24;
	v10 =	vsub.f32 v10, v20;
	s0 =	sadd.s32 $0x40, s0  }
0x47: {  	v25 =	vadd.s32 v25, v19;
	v2 =	vadd.f32 v16, v2;
	p0 =	slt.u32 s24, $0x84;
	v20 =	vld [tilespmem:s21+$0xFFFFFFE0];
	v24 =	vadd.s32 $0x10, v24  }
0x48: {  	v9 =	vsub.f32 v9, v12;
	v16 =	vshll.u32 v24, $0x5;
	vm0 =	vgt.s32 v24, $0x0  }
0x49: {  	v17 =	vsub.f32 v21, v17;
	v12 =	vsel vm0, $0x1, v1;
	v26 =	vsel vm0, $0xFFFFFFEF, v1;
	v27 =	vld [tilespmem:s0+$0x10]  }
0x4a: {  	v18 =	vsub.f32 v18, v22;
	v21 =	vld [tilespmem:s0+$0xFFFFFFF0];
	v12 =	vadd.s32 v12, v25;
	v24 =	vadd.s32 v26, v24  }
0x4b: {  	v16 =	vadd.s32 v5, v16;
	v17 =	vand.u32 $0x7FFFFFFF, v17;
	v14 =	vld.idx.msk [tilespmem:v14+s22+$0x0], $0xffff;
	v22 =	vadd.s32 $0x10, v24  }
0x4c: {  	v9 =	vand.u32 $0x7FFFFFFF, v9;
	v26 =	vmul.u32 $0x220, v12;
	v24 =	vld [tilespmem:s21+$0x10];
	v28 =	vshll.u32 v22, $0x5  }
0x4d: {  	v19 =	vmul.u32 $0x220, v19;
	v15 =	vand.u32 $0x7FFFFFFF, v15;
	v29 =	vld [tilespmem:s21+$0xFFFFFFF0];
	v28 =	vadd.s32 v5, v28  }
0x4e: {  	v10 =	vand.u32 $0x7FFFFFFF, v10;
	v15 =	vadd.f32 v9, v15;
	v11 =	vld.idx.msk [tilespmem:v11+s22+$0x0], $0xffff;
	v26 =	vadd.s32 v26, v28  }
0x4f: {  	v9 =	vand.u32 $0x7FFFFFFF, v13;
	v28 =	vld.idx.msk [tilespmem:v20+s18+$0x0], $0xffff;
	v30 =	vor.u32 v4, v26;
	v26 =	vor.u32 v3, v26  }
0x50: {  	v19 =	vadd.s32 v19, v23;
	v18 =	vand.u32 $0x7FFFFFFF, v18;
	v13 =	vld.idx.msk [tilespmem:v20+s19+$0x0], $0xffff;
	v20 =	vmul.u32 $0x220, v25  }
0x51: {  	v23 =	vor.u32 v4, v19;
	vm0 =	vgt.s32 v22, $0x0;
	v17 =	vadd.f32 v18, v17;
	v25 =	vld [tilespmem:s0+$0x0]  }
0x52: {  	v19 =	vor.u32 v3, v19;
	v31 =	vsel vm0, $0x1, v1;
	v32 =	vsel vm0, $0xFFFFFFEF, v1;
	v18 =	vld [tilespmem:s0+$0xFFFFFFE0]  }
0x53: {  	v10 =	vadd.f32 v10, v9;
	v31 =	vadd.s32 v31, v12;
	v12 =	vadd.s32 v32, v22;
	v33 =	vld [tilespmem:s21+$0x0]  }
0x54: {  	v15 =	vmul.f32 v15, v8;
	v22 =	vadd.s32 $0x10, v12;
	v16 =	vadd.s32 v20, v16;
	v9 =	vld.idx.msk [tilespmem:v24+s19+$0x0], $0xffff  }
0x55: {  	v8 =	vmul.u32 $0x220, v31;
	v20 =	vmul.f32 v10, v7;
	s21 =	sadd.s32 $0x40, s21;
	v12 =	vsub.f32 v28, v14;
	v28 =	vld.idx.msk [tilespmem:v24+s18+$0x0], $0xffff  }
0x56: {  	v7 =	vsub.f32 v13, v11;
	v13 =	vor.u32 v4, v16;
	v10 =	vld.idx.msk [tilespmem:v29+s19+$0x0], $0xffff;
	v11 =	vand.u32 $0x7FFFFFFF, v25  }
0x57: {  	v8 =	vadd.s32 v5, v8;
	v14 =	vshll.u32 v22, $0x5;
	v24 =	vmul.f32 v17, v6;
	v25 =	vld.idx.msk [tilespmem:v29+s18+$0x0], $0xffff;
	v6 =	vmovc v11  }
0x58: {  	v8 =	vadd.s32 v14, v8;
	v17 =	vand.u32 $0x7FFFFFFF, v7;
	v29 =	vor.u32 v3, v16;
	v30 =	vld.idx.msk [tilespmem:v30+s22+$0x0], $0xffff  }
0x59: {  	v14 =	vor.u32 v4, v8;
	v11 =	vor.u32 v3, v8;
	v8 =	vand.u32 $0x7FFFFFFF, v12;
	v32 =	vld.idx.msk [tilespmem:v23+s22+$0x0], $0xffff  }
0x5a: {  	v2 =	vadd.f32 v20, v2;
	v16 =	vand.u32 $0x7FFFFFFF, v18;
	v7 =	vand.u32 $0x7FFFFFFF, v21;
	v12 =	vld.idx.msk [tilespmem:v26+s22+$0x0], $0xffff  }
0x5b: {  	vm0 =	vgt.s32 v22, $0x0;
	v18 =	vadd.f32 v17, v8;
	v20 =	vld.idx.msk [tilespmem:v19+s22+$0x0], $0xffff  }
.Ltmp0:
0x5c: {  	v2 =	vadd.f32 v24, v2;
	v8 =	vand.u32 $0x7FFFFFFF, v27;
	v19 =	vsel vm0, $0xFFFFFFEF, v1;
	v17 =	vld.idx.msk [tilespmem:v13+s22+$0x0], $0xffff;
	(pc) =	sbr.rel @p0 .LBB2_3-.Ltmp0, $4  }
0x5d: {  	v16 =	vmul.f32 v18, v16;
	v13 =	vsel vm0, $0x1, v1;
	v21 =	vadd.s32 v19, v22;
	v18 =	vld.idx.msk [tilespmem:v33+s19+$0x0], $0xffff  }
0x5e: {  	v2 =	vadd.f32 v15, v2;
	v19 =	vadd.s32 v13, v31;
	v24 =	vadd.s32 $0x10, v21;
	v21 =	vld.idx.msk [tilespmem:v33+s18+$0x0], $0xffff  }
0x5f: {  	v23 =	vshll.u32 v24, $0x5;
	vm0 =	vgt.s32 v24, $0x0;
	v13 =	vsub.f32 v25, v32;
	v22 =	vld.idx.msk [tilespmem:v29+s22+$0x0], $0xffff  }
0x60: {  	v15 =	vsub.f32 v28, v30;
	v25 =	vsel vm0, $0x1, v1;
	v26 =	vsel vm0, $0xFFFFFFEF, v1  }
0x61: {  	_ =	sdelay $0x2  }
0x62: {  	v27 =	vld [tilespmem:s21+$0xFFFFFFE0]  }
0x63: {  	v14 =	vld.idx.msk [tilespmem:v14+s22+$0x0], $0xffff  }
0x64: {  	v29 =	vld [tilespmem:s21+$0x10]  }
0x65: {  	v24 =	vadd.s32 v26, v24;
	v31 =	vld [tilespmem:s21+$0xFFFFFFF0];
	v25 =	vadd.s32 v25, v19  }
0x66: {  	s0 =	sadd.s32 $0x40, s0;
	v11 =	vld.idx.msk [tilespmem:v11+s22+$0x0], $0xffff;
	v23 =	vadd.s32 v5, v23;
	v19 =	vmul.u32 $0x220, v19;
	v10 =	vsub.f32 v10, v20  }
0x67: {  	v13 =	vand.u32 $0x7FFFFFFF, v13;
	v9 =	vsub.f32 v9, v12;
	v28 =	vld [tilespmem:s0+$0x10];
	v24 =	vadd.s32 $0x10, v24  }
0x68: {  	v2 =	vadd.f32 v16, v2;
	v26 =	vld [tilespmem:s0+$0xFFFFFFF0];
	v15 =	vand.u32 $0x7FFFFFFF, v15;
	vm0 =	vgt.s32 v24, $0x0  }
0x69: {  	v34 =	vld [tilespmem:s0+$0x0];
	v20 =	vshll.u32 v24, $0x5;
	v17 =	vsub.f32 v21, v17;
	v19 =	vadd.s32 v19, v23  }
0x6a: {  	v58 =	vld [tilespmem:s0+$0xFFFFFFE0];
	v10 =	vand.u32 $0x7FFFFFFF, v10;
	v30 =	vsel vm0, $0xFFFFFFEF, v1;
	v32 =	vsel vm0, $0x1, v1  }
0x6b: {  	v23 =	vld [tilespmem:s21+$0x0];
	v18 =	vsub.f32 v18, v22;
	v22 =	vmul.u32 $0x220, v25;
	v30 =	vadd.s32 v30, v24  }
0x6c: {  	v10 =	vadd.f32 v10, v13;
	v32 =	vadd.s32 v32, v25;
	v30 =	vadd.s32 $0x10, v30;
	v33 =	vld.idx.msk [tilespmem:v27+s18+$0x0], $0xffff  }
0x6d: {  	v25 =	vor.u32 v4, v19;
	v19 =	vor.u32 v3, v19;
	v30 =	vshll.u32 v30, $0x5;
	v27 =	vld.idx.msk [tilespmem:v27+s19+$0x0], $0xffff  }
0x6e: {  	v32 =	vmul.u32 $0x220, v32;
	v30 =	vadd.s32 v5, v30;
	v5 =	vadd.s32 v5, v20;
	v59 =	vld.idx.msk [tilespmem:v29+s19+$0x0], $0xffff  }
0x6f: {  	v9 =	vand.u32 $0x7FFFFFFF, v9;
	v12 =	vand.u32 $0x7FFFFFFF, v17;
	v5 =	vadd.s32 v22, v5;
	v22 =	vld.idx.msk [tilespmem:v31+s19+$0x0], $0xffff  }
0x70: {  	v17 =	vand.u32 $0x7FFFFFFF, v18;
	v7 =	vmul.f32 v10, v7;
	v24 =	vadd.s32 v32, v30;
	v13 =	vld.idx.msk [tilespmem:v31+s18+$0x0], $0xffff  }
0x71: {  	v12 =	vadd.f32 v17, v12;
	v21 =	vor.u32 v4, v24;
	v20 =	vor.u32 v3, v24;
	v24 =	vld.idx.msk [tilespmem:v29+s18+$0x0], $0xffff  }
0x72: {  	v9 =	vadd.f32 v9, v15;
	v10 =	vld.idx.msk [tilespmem:v25+s22+$0x0], $0xffff  }
0x73: {  	v2 =	vadd.f32 v7, v2;
	v6 =	vmul.f32 v12, v6;
	v3 =	vor.u32 v3, v5;
	v15 =	vld.idx.msk [tilespmem:v19+s22+$0x0], $0xffff  }
0x74: {  	v7 =	vmul.f32 v9, v8;
	v4 =	vor.u32 v4, v5;
	v8 =	vld.idx.msk [tilespmem:v23+s19+$0x0], $0xffff  }
0x75: {  	v2 =	vadd.f32 v6, v2;
	v6 =	vld.idx.msk [tilespmem:v23+s18+$0x0], $0xffff  }
0x76: {  	v14 =	vsub.f32 v33, v14;
	v11 =	vsub.f32 v27, v11;
	v18 =	vld.idx.msk [tilespmem:v21+s22+$0x0], $0xffff  }
0x77: {  	v5 =	vld.idx.msk [tilespmem:v20+s22+$0x0], $0xffff  }
0x78: {  	v3 =	vld.idx.msk [tilespmem:v3+s22+$0x0], $0xffff;
	v9 =	vand.u32 $0x7FFFFFFF, v11;
	v11 =	vand.u32 $0x7FFFFFFF, v14  }
0x79: {  	v4 =	vld.idx.msk [tilespmem:v4+s22+$0x0], $0xffff;
	v9 =	vadd.f32 v9, v11  }
0x7a: {  	s21 =	sadd.s32 s1, s12;
	v12 =	vand.u32 $0x7FFFFFFF, v58;
	v2 =	vadd.f32 v7, v2  }
0x7b: {  	s0 =	sshll.u32 s21, $0xE;
	v14 =	vand.u32 $0x7FFFFFFF, v28;
	v7 =	vmul.f32 v9, v12;
	v9 =	vsub.f32 v13, v10  }
0x7c: {  	s0 =	sadd.s32 s5, s0;
	v11 =	vand.u32 $0x7FFFFFFF, v34;
	v13 =	vsub.f32 v22, v15;
	v10 =	vsub.f32 v24, v18  }
0x7d: {  	s0 =	sshrl.u32 s0, $0x3;
	v12 =	vand.u32 $0x7FFFFFFF, v26;
	v5 =	vsub.f32 v59, v5;
	v3 =	vsub.f32 v8, v3  }
0x7e: {  	s0 =	sadd.s32 s2, s0;
	v7 =	vadd.f32 v7, v2;
	v2 =	vsub.f32 v6, v4;
	v8 =	vand.u32 $0x7FFFFFFF, v13  }
0x7f: {  	[tilespmem:s18], [sflag:$0x1] =	stream.linear.gather [hbm4b:s0+s3], $0x4000, $0x38;
	v9 =	vand.u32 $0x7FFFFFFF, v9;
	v13 =	vmov s20;
	v4 =	vand.u32 $0x7FFFFFFF, v5;
	[tilespmem:$0x1E120] =	vst v63  }
0x80: {  	s0 =	sadd.s32 $0x4, s1;
	_ =	swait.ge [sflag:s28], $0x4000;
	v5 =	vand.u32 $0x7FFFFFFF, v10;
	v10 =	vimm.s32 $0x0;
	v3 =	vand.u32 $0x7FFFFFFF, v3  }
0x81: {  	s24 =	sadd.s32 s6, s0;
	[sflag:s28] =	ssyncset.done $0x0;
	v8 =	vadd.f32 v8, v9;
	v6 =	vand.u32 $0x7FFFFFFF, v2;
	v2 =	vlaneseq.u32  }
0x82: {  	s21 =	sshll.u32 s24, $0xE;
	[sflag:s28] =	ssyncadd.s32 $0xFFFFC000;
	v5 =	vadd.f32 v4, v5;
	v15 =	vmul.u32 $0x220, v10;
	vm10 =	vgt.s32 v2, $0x0  }
0x83: {  	s21 =	sadd.s32 s5, s21;
	_ =	swait.ge [sflag:s4], $0x4000;
	v4 =	vand.u32 $0x78, v13;
	v17 =	vshll.u32 v2, $0x5;
	v16 =	vsel vm10, $0xFFFFFFEF, v1  }
0x84: {  	s21 =	sshrl.u32 s21, $0x3;
	[sflag:s4] =	ssyncset.done $0x0;
	v6 =	vadd.f32 v3, v6;
	v15 =	vadd.s32 v4, v15;
	v16 =	vadd.s32 v16, v2  }
0x85: {  	s24 =	simm.s32 $0x20;
	[sflag:s4] =	ssyncadd.s32 $0xFFFFC000;
	s20 =	sadd.s32 s2, s21;
	v2 =	vand.u32 $0x6, v13;
	v13 =	vadd.s32 v17, v15;
	v15 =	vadd.s32 $0x10, v16  }
0x86: {  	[tilespmem:s19], [sflag:$0x2] =	stream.linear.gather [hbm4b:s20+s3], $0x4000, $0x38;
	v8 =	vmul.f32 v8, v12;
	v16 =	vor.u32 v2, v13;
	vm11 =	vgt.s32 v15, $0x0;
	[tilespmem:$0x1E120] =	vst v63  }
0x87: {  	s20 =	simm.s32 $0x8A0;
	v18 =	vld [tilespmem:s24+$0xFFFFFFE0];
	v5 =	vmul.f32 v5, v14;
	v17 =	vsel vm10, $0x1, v1;
	v9 =	vsel vm11, $0xFFFFFFEF, v1  }
0x88: {  	v19 =	vld [tilespmem:s20+$0x10];
	v6 =	vmul.f32 v6, v11;
	v3 =	vor.u32 $0x1, v2;
	v9 =	vadd.s32 v9, v15  }
0x89: {  	v20 =	vld [tilespmem:s20+$0xFFFFFFF0];
	v7 =	vadd.f32 v8, v7;
	v12 =	vor.u32 v3, v13;
	v13 =	vadd.s32 $0x10, v9  }
0x8a: {  	v8 =	vadd.s32 v17, v10;
	v17 =	vld [tilespmem:s24+$0xFFFFFFF0];
	v9 =	vsel vm11, $0x1, v1;
	vm12 =	vgt.s32 v13, $0x0  }
0x8b: {  	v6 =	vadd.f32 v6, v7;
	v11 =	vld.idx.msk [tilespmem:v16+s22+$0x0], $0xffff;
	v14 =	vadd.s32 v9, v8;
	v10 =	vsel vm12, $0xFFFFFFEF, v1  }
0x8c: {  	v16 =	vld [tilespmem:s24+$0x10];
	v8 =	vmul.u32 $0x220, v8;
	v9 =	vsel vm12, $0x1, v1;
	v10 =	vadd.s32 v10, v13  }
0x8d: {  	v23 =	vld [tilespmem:s20+$0xFFFFFFE0];
	v7 =	vadd.s32 v9, v14;
	v9 =	vadd.f32 v5, v6;
	v5 =	vshll.u32 v15, $0x5  }
0x8e: {  	v12 =	vld.idx.msk [tilespmem:v12+s22+$0x0], $0xffff;
	v13 =	vshll.u32 v13, $0x5;
	v14 =	vmul.u32 $0x220, v14;
	v10 =	vadd.s32 $0x10, v10  }
0x8f: {  	v15 =	vld.idx.msk [tilespmem:v18+s26+$0x0], $0xffff;
	v21 =	vmul.u32 $0x220, v7;
	v5 =	vadd.s32 v4, v5;
	v13 =	vadd.s32 v4, v13  }
0x90: {  	v18 =	vld.idx.msk [tilespmem:v18+s18+$0x0], $0xffff;
	v22 =	vshll.u32 v10, $0x5;
	v5 =	vadd.s32 v8, v5;
	vm13 =	vgt.s32 v10, $0x0  }
0x91: {  	v25 =	vld [tilespmem:s24+$0x0];
	v6 =	vadd.s32 v4, v22;
	v24 =	vor.u32 v2, v5;
	v8 =	vsel vm13, $0x1, v1  }
0x92: {  	v22 =	vld [tilespmem:s20+$0x0];
	v26 =	vor.u32 v3, v5;
	v5 =	vsel vm13, $0xFFFFFFEF, v1;
	v6 =	vadd.s32 v21, v6  }
0x93: {  	v61 =	vld.idx.msk [tilespmem:v17+s26+$0x0], $0xffff;
	v27 =	vadd.s32 v8, v7;
	v5 =	vadd.s32 v5, v10;
	v21 =	vor.u32 v2, v6  }
0x94: {  	v7 =	vadd.s32 v14, v13;
	v6 =	vor.u32 v3, v6;
	v13 =	vmul.u32 $0x220, v27;
	v8 =	vld.idx.msk [tilespmem:v16+s18+$0x0], $0xffff  }
0x95: {  	v15 =	vsub.f32 v15, v11;
	v11 =	vsub.f32 v18, v12;
	v60 =	vld.idx.msk [tilespmem:v16+s26+$0x0], $0xffff;
	v16 =	vadd.s32 $0x10, v5  }
0x96: {  	v10 =	vld.idx.msk [tilespmem:v17+s18+$0x0], $0xffff;
	v18 =	vor.u32 v2, v7;
	v12 =	vshll.u32 v16, $0x5;
	v13 =	vadd.s32 v4, v13  }
0x97: {  	vm14 =	vgt.s32 v16, $0x0;
	v5 =	vand.u32 $0x7FFFFFFF, v22;
	v12 =	vadd.s32 v12, v13;
	v63 =	vld.idx.msk [tilespmem:v24+s22+$0x0], $0xffff  }
0x98: {  	v13 =	vand.u32 $0x7FFFFFFF, v11;
	v22 =	vor.u32 v3, v7;
	v7 =	vand.u32 $0x7FFFFFFF, v15;
	v62 =	vld.idx.msk [tilespmem:v21+s22+$0x0], $0xffff  }
0x99: {  	v15 =	vand.u32 $0x7FFFFFFF, v23;
	v14 =	vor.u32 v2, v12;
	v11 =	vor.u32 v3, v12;
	v12 =	vld.idx.msk [tilespmem:v6+s22+$0x0], $0xffff  }
0x9a: {  	v13 =	vadd.f32 v13, v7;
	v6 =	vand.u32 $0x7FFFFFFF, v20;
	v20 =	vld.idx.msk [tilespmem:v26+s22+$0x0], $0xffff;
	v21 =	vsel vm14, $0xFFFFFFEF, v1  }
0x9b: {  	v7 =	vand.u32 $0x7FFFFFFF, v19;
	v19 =	vsel vm14, $0x1, v1;
	v17 =	vld.idx.msk [tilespmem:v18+s22+$0x0], $0xffff;
	v21 =	vadd.s32 v21, v16  }
0x9c: {  	v18 =	vld.idx.msk [tilespmem:v25+s18+$0x0], $0xffff;
	v19 =	vadd.s32 v19, v27;
	v16 =	vmul.f32 v13, v15;
	v24 =	vadd.s32 $0x10, v21  }
0x9d: {  	v21 =	vld.idx.msk [tilespmem:v25+s26+$0x0], $0xffff;
	v23 =	vshll.u32 v24, $0x5;
	vm15 =	vgt.s32 v24, $0x0;
	v13 =	vsub.f32 v61, v63  }
0x9e: {  	s21 =	simm.s32 $0x60;
	s24 =	simm.s32 $0x4;
	v22 =	vld.idx.msk [tilespmem:v22+s22+$0x0], $0xffff;
	v25 =	vsel vm15, $0x1, v1;
	v26 =	vsel vm15, $0xFFFFFFEF, v1;
	v15 =	vsub.f32 v60, v62  }
.LBB2_5:
0x9f: {  	s24 =	sadd.s32 $0x4, s24;
	v23 =	vadd.s32 v4, v23;
	v24 =	vadd.s32 v26, v24;
	v10 =	vsub.f32 v10, v20;
	s20 =	sadd.s32 $0x40, s20  }
0xa0: {  	v25 =	vadd.s32 v25, v19;
	v9 =	vadd.f32 v16, v9;
	p0 =	slt.u32 s24, $0x84;
	v20 =	vld [tilespmem:s21+$0xFFFFFFE0];
	v24 =	vadd.s32 $0x10, v24  }
0xa1: {  	v8 =	vsub.f32 v8, v12;
	v16 =	vshll.u32 v24, $0x5;
	vm0 =	vgt.s32 v24, $0x0  }
0xa2: {  	v17 =	vsub.f32 v21, v17;
	v12 =	vsel vm0, $0x1, v1;
	v26 =	vsel vm0, $0xFFFFFFEF, v1;
	v27 =	vld [tilespmem:s20+$0x10]  }
0xa3: {  	v18 =	vsub.f32 v18, v22;
	v21 =	vld [tilespmem:s20+$0xFFFFFFF0];
	v12 =	vadd.s32 v12, v25;
	v24 =	vadd.s32 v26, v24  }
0xa4: {  	v16 =	vadd.s32 v4, v16;
	v17 =	vand.u32 $0x7FFFFFFF, v17;
	v14 =	vld.idx.msk [tilespmem:v14+s22+$0x0], $0xffff;
	v22 =	vadd.s32 $0x10, v24  }
0xa5: {  	v8 =	vand.u32 $0x7FFFFFFF, v8;
	v26 =	vmul.u32 $0x220, v12;
	v24 =	vld [tilespmem:s21+$0x10];
	v28 =	vshll.u32 v22, $0x5  }
0xa6: {  	v19 =	vmul.u32 $0x220, v19;
	v15 =	vand.u32 $0x7FFFFFFF, v15;
	v29 =	vld [tilespmem:s21+$0xFFFFFFF0];
	v28 =	vadd.s32 v4, v28  }
0xa7: {  	v10 =	vand.u32 $0x7FFFFFFF, v10;
	v15 =	vadd.f32 v8, v15;
	v11 =	vld.idx.msk [tilespmem:v11+s22+$0x0], $0xffff;
	v26 =	vadd.s32 v26, v28  }
0xa8: {  	v8 =	vand.u32 $0x7FFFFFFF, v13;
	v28 =	vld.idx.msk [tilespmem:v20+s26+$0x0], $0xffff;
	v30 =	vor.u32 v2, v26;
	v26 =	vor.u32 v3, v26  }
0xa9: {  	v19 =	vadd.s32 v19, v23;
	v18 =	vand.u32 $0x7FFFFFFF, v18;
	v13 =	vld.idx.msk [tilespmem:v20+s18+$0x0], $0xffff;
	v20 =	vmul.u32 $0x220, v25  }
0xaa: {  	v23 =	vor.u32 v2, v19;
	vm0 =	vgt.s32 v22, $0x0;
	v17 =	vadd.f32 v18, v17;
	v25 =	vld [tilespmem:s20+$0x0]  }
0xab: {  	v19 =	vor.u32 v3, v19;
	v31 =	vsel vm0, $0x1, v1;
	v32 =	vsel vm0, $0xFFFFFFEF, v1;
	v18 =	vld [tilespmem:s20+$0xFFFFFFE0]  }
0xac: {  	v10 =	vadd.f32 v10, v8;
	v31 =	vadd.s32 v31, v12;
	v12 =	vadd.s32 v32, v22;
	v33 =	vld [tilespmem:s21+$0x0]  }
0xad: {  	v15 =	vmul.f32 v15, v7;
	v22 =	vadd.s32 $0x10, v12;
	v16 =	vadd.s32 v20, v16;
	v8 =	vld.idx.msk [tilespmem:v24+s18+$0x0], $0xffff  }
0xae: {  	v7 =	vmul.u32 $0x220, v31;
	v20 =	vmul.f32 v10, v6;
	s21 =	sadd.s32 $0x40, s21;
	v12 =	vsub.f32 v28, v14;
	v28 =	vld.idx.msk [tilespmem:v24+s26+$0x0], $0xffff  }
0xaf: {  	v6 =	vsub.f32 v13, v11;
	v13 =	vor.u32 v2, v16;
	v10 =	vld.idx.msk [tilespmem:v29+s18+$0x0], $0xffff;
	v11 =	vand.u32 $0x7FFFFFFF, v25  }
0xb0: {  	v7 =	vadd.s32 v4, v7;
	v14 =	vshll.u32 v22, $0x5;
	v24 =	vmul.f32 v17, v5;
	v25 =	vld.idx.msk [tilespmem:v29+s26+$0x0], $0xffff;
	v5 =	vmovc v11  }
0xb1: {  	v7 =	vadd.s32 v14, v7;
	v17 =	vand.u32 $0x7FFFFFFF, v6;
	v29 =	vor.u32 v3, v16;
	v30 =	vld.idx.msk [tilespmem:v30+s22+$0x0], $0xffff  }
0xb2: {  	v14 =	vor.u32 v2, v7;
	v11 =	vor.u32 v3, v7;
	v7 =	vand.u32 $0x7FFFFFFF, v12;
	v32 =	vld.idx.msk [tilespmem:v23+s22+$0x0], $0xffff  }
0xb3: {  	v9 =	vadd.f32 v20, v9;
	v16 =	vand.u32 $0x7FFFFFFF, v18;
	v6 =	vand.u32 $0x7FFFFFFF, v21;
	v12 =	vld.idx.msk [tilespmem:v26+s22+$0x0], $0xffff  }
0xb4: {  	vm0 =	vgt.s32 v22, $0x0;
	v18 =	vadd.f32 v17, v7;
	v20 =	vld.idx.msk [tilespmem:v19+s22+$0x0], $0xffff  }
.Ltmp1:
0xb5: {  	v9 =	vadd.f32 v24, v9;
	v7 =	vand.u32 $0x7FFFFFFF, v27;
	v19 =	vsel vm0, $0xFFFFFFEF, v1;
	v17 =	vld.idx.msk [tilespmem:v13+s22+$0x0], $0xffff;
	(pc) =	sbr.rel @p0 .LBB2_5-.Ltmp1, $4  }
0xb6: {  	v16 =	vmul.f32 v18, v16;
	v13 =	vsel vm0, $0x1, v1;
	v21 =	vadd.s32 v19, v22;
	v18 =	vld.idx.msk [tilespmem:v33+s18+$0x0], $0xffff  }
0xb7: {  	v9 =	vadd.f32 v15, v9;
	v19 =	vadd.s32 v13, v31;
	v24 =	vadd.s32 $0x10, v21;
	v21 =	vld.idx.msk [tilespmem:v33+s26+$0x0], $0xffff  }
0xb8: {  	v23 =	vshll.u32 v24, $0x5;
	vm0 =	vgt.s32 v24, $0x0;
	v13 =	vsub.f32 v25, v32;
	v22 =	vld.idx.msk [tilespmem:v29+s22+$0x0], $0xffff  }
0xb9: {  	v15 =	vsub.f32 v28, v30;
	v25 =	vsel vm0, $0x1, v1;
	v26 =	vsel vm0, $0xFFFFFFEF, v1  }
0xba: {  	_ =	sdelay $0x2  }
0xbb: {  	v27 =	vld [tilespmem:s21+$0xFFFFFFE0]  }
0xbc: {  	v14 =	vld.idx.msk [tilespmem:v14+s22+$0x0], $0xffff  }
0xbd: {  	v29 =	vld [tilespmem:s21+$0x10]  }
0xbe: {  	v24 =	vadd.s32 v26, v24;
	v31 =	vld [tilespmem:s21+$0xFFFFFFF0];
	v25 =	vadd.s32 v25, v19  }
0xbf: {  	s20 =	sadd.s32 $0x40, s20;
	v11 =	vld.idx.msk [tilespmem:v11+s22+$0x0], $0xffff;
	v23 =	vadd.s32 v4, v23;
	v19 =	vmul.u32 $0x220, v19;
	v10 =	vsub.f32 v10, v20  }
0xc0: {  	v13 =	vand.u32 $0x7FFFFFFF, v13;
	v8 =	vsub.f32 v8, v12;
	v28 =	vld [tilespmem:s20+$0x10];
	v24 =	vadd.s32 $0x10, v24  }
0xc1: {  	v9 =	vadd.f32 v16, v9;
	v26 =	vld [tilespmem:s20+$0xFFFFFFF0];
	v15 =	vand.u32 $0x7FFFFFFF, v15;
	vm0 =	vgt.s32 v24, $0x0  }
0xc2: {  	v34 =	vld [tilespmem:s20+$0x0];
	v20 =	vshll.u32 v24, $0x5;
	v17 =	vsub.f32 v21, v17;
	v19 =	vadd.s32 v19, v23  }
0xc3: {  	v58 =	vld [tilespmem:s20+$0xFFFFFFE0];
	v10 =	vand.u32 $0x7FFFFFFF, v10;
	v30 =	vsel vm0, $0xFFFFFFEF, v1;
	v32 =	vsel vm0, $0x1, v1  }
0xc4: {  	v23 =	vld [tilespmem:s21+$0x0];
	v18 =	vsub.f32 v18, v22;
	v22 =	vmul.u32 $0x220, v25;
	v30 =	vadd.s32 v30, v24  }
0xc5: {  	v10 =	vadd.f32 v10, v13;
	v32 =	vadd.s32 v32, v25;
	v30 =	vadd.s32 $0x10, v30;
	v33 =	vld.idx.msk [tilespmem:v27+s26+$0x0], $0xffff  }
0xc6: {  	v25 =	vor.u32 v2, v19;
	v19 =	vor.u32 v3, v19;
	v30 =	vshll.u32 v30, $0x5;
	v27 =	vld.idx.msk [tilespmem:v27+s18+$0x0], $0xffff  }
0xc7: {  	v32 =	vmul.u32 $0x220, v32;
	v30 =	vadd.s32 v4, v30;
	v4 =	vadd.s32 v4, v20;
	v59 =	vld.idx.msk [tilespmem:v29+s18+$0x0], $0xffff  }
0xc8: {  	v8 =	vand.u32 $0x7FFFFFFF, v8;
	v12 =	vand.u32 $0x7FFFFFFF, v17;
	v4 =	vadd.s32 v22, v4;
	v22 =	vld.idx.msk [tilespmem:v31+s18+$0x0], $0xffff  }
0xc9: {  	v17 =	vand.u32 $0x7FFFFFFF, v18;
	v6 =	vmul.f32 v10, v6;
	v24 =	vadd.s32 v32, v30;
	v13 =	vld.idx.msk [tilespmem:v31+s26+$0x0], $0xffff  }
0xca: {  	v12 =	vadd.f32 v17, v12;
	v21 =	vor.u32 v2, v24;
	v20 =	vor.u32 v3, v24;
	v24 =	vld.idx.msk [tilespmem:v29+s26+$0x0], $0xffff  }
0xcb: {  	v8 =	vadd.f32 v8, v15;
	v10 =	vld.idx.msk [tilespmem:v25+s22+$0x0], $0xffff  }
0xcc: {  	v6 =	vadd.f32 v6, v9;
	v5 =	vmul.f32 v12, v5;
	v2 =	vor.u32 v2, v4;
	v15 =	vld.idx.msk [tilespmem:v19+s22+$0x0], $0xffff  }
0xcd: {  	v7 =	vmul.f32 v8, v7;
	v3 =	vor.u32 v3, v4;
	v8 =	vld.idx.msk [tilespmem:v23+s18+$0x0], $0xffff  }
0xce: {  	v5 =	vadd.f32 v5, v6;
	v6 =	vld.idx.msk [tilespmem:v23+s26+$0x0], $0xffff  }
0xcf: {  	v14 =	vsub.f32 v33, v14;
	v11 =	vsub.f32 v27, v11;
	v18 =	vld.idx.msk [tilespmem:v21+s22+$0x0], $0xffff  }
0xd0: {  	v4 =	vld.idx.msk [tilespmem:v20+s22+$0x0], $0xffff  }
0xd1: {  	v2 =	vld.idx.msk [tilespmem:v2+s22+$0x0], $0xffff;
	v9 =	vand.u32 $0x7FFFFFFF, v11;
	v11 =	vand.u32 $0x7FFFFFFF, v14  }
0xd2: {  	s21 =	sadd.s32 s1, s13;
	v3 =	vld.idx.msk [tilespmem:v3+s22+$0x0], $0xffff;
	v9 =	vadd.f32 v9, v11  }
0xd3: {  	s20 =	sshll.u32 s21, $0xE;
	v12 =	vand.u32 $0x7FFFFFFF, v58  }
0xd4: {  	s20 =	sadd.s32 s5, s20;
	v5 =	vadd.f32 v7, v5;
	v7 =	vmul.f32 v9, v12;
	v9 =	vsub.f32 v13, v10  }
0xd5: {  	s20 =	sshrl.u32 s20, $0x3;
	v14 =	vand.u32 $0x7FFFFFFF, v28;
	v13 =	vsub.f32 v22, v15;
	v10 =	vsub.f32 v24, v18  }
0xd6: {  	s20 =	sadd.s32 s2, s20;
	v11 =	vand.u32 $0x7FFFFFFF, v34;
	v4 =	vsub.f32 v59, v4;
	v2 =	vsub.f32 v6, v2  }
0xd7: {  	[tilespmem:s26], [sflag:$0x3] =	stream.linear.gather [hbm4b:s20+s3], $0x4000, $0x38;
	v12 =	vand.u32 $0x7FFFFFFF, v26;
	v3 =	vsub.f32 v8, v3;
	v5 =	vadd.f32 v7, v5;
	[tilespmem:$0x1E120] =	vst v63  }
0xd8: {  	_ =	swait.ge [sflag:s25], $0x4000;
	v8 =	vand.u32 $0x7FFFFFFF, v13;
	v4 =	vand.u32 $0x7FFFFFFF, v4;
	v6 =	vand.u32 $0x7FFFFFFF, v10  }
0xd9: {  	s24 =	sadd.s32 s1, s14;
	[sflag:s25] =	ssyncset.done $0x0;
	v7 =	vand.u32 $0x7FFFFFFF, v2;
	v2 =	vlaneseq.u32;
	v10 =	vmov s0  }
0xda: {  	s20 =	sshll.u32 s24, $0xE;
	[sflag:s25] =	ssyncadd.s32 $0xFFFFC000;
	v15 =	vand.u32 $0x7FFFFFFF, v3;
	v4 =	vadd.f32 v4, v6;
	v6 =	vand.u32 $0x7FFFFFFF, v9  }
0xdb: {  	s20 =	sadd.s32 s5, s20;
	_ =	swait.ge [sflag:s28], $0x4000;
	v9 =	vimm.s32 $0x0;
	vm10 =	vgt.s32 v2, $0x0;
	v3 =	vand.u32 $0x78, v10  }
0xdc: {  	s21 =	sshrl.u32 s20, $0x3;
	[sflag:s28] =	ssyncset.done $0x0;
	v17 =	vshll.u32 v2, $0x5;
	v13 =	vmul.u32 $0x220, v9;
	v16 =	vsel vm10, $0xFFFFFFEF, v1  }
0xdd: {  	s24 =	simm.s32 $0x20;
	[sflag:s28] =	ssyncadd.s32 $0xFFFFC000;
	s0 =	sadd.s32 s2, s21;
	v7 =	vadd.f32 v15, v7;
	v6 =	vadd.f32 v8, v6;
	v16 =	vadd.s32 v16, v2  }
0xde: {  	[tilespmem:s18], [sflag:$0x1] =	stream.linear.gather [hbm4b:s0+s3], $0x4000, $0x38;
	v2 =	vand.u32 $0x6, v10;
	v14 =	vmul.f32 v4, v14;
	v13 =	vadd.s32 v3, v13;
	[tilespmem:$0x1E120] =	vst v63  }
0xdf: {  	v15 =	vld [tilespmem:s24+$0xFFFFFFE0];
	v4 =	vor.u32 $0x1, v2;
	v10 =	vadd.s32 v17, v13;
	v13 =	vadd.s32 $0x10, v16  }
0xe0: {  	v6 =	vmul.f32 v6, v12;
	v16 =	vor.u32 v2, v10;
	vm11 =	vgt.s32 v13, $0x0  }
0xe1: {  	s0 =	simm.s32 $0x8A0;
	v7 =	vmul.f32 v7, v11;
	v10 =	vor.u32 v4, v10;
	v8 =	vsel vm11, $0xFFFFFFEF, v1  }
0xe2: {  	v19 =	vld [tilespmem:s0+$0x10];
	v17 =	vsel vm10, $0x1, v1;
	v5 =	vadd.f32 v6, v5;
	v8 =	vadd.s32 v8, v13  }
0xe3: {  	v18 =	vld [tilespmem:s0+$0xFFFFFFF0];
	v6 =	vadd.s32 v17, v9;
	v11 =	vsel vm11, $0x1, v1;
	v8 =	vadd.s32 $0x10, v8  }
0xe4: {  	v17 =	vld [tilespmem:s24+$0x10];
	v11 =	vadd.s32 v11, v6;
	v5 =	vadd.f32 v7, v5;
	vm12 =	vgt.s32 v8, $0x0  }
0xe5: {  	v6 =	vmul.u32 $0x220, v6;
	v9 =	vsel vm12, $0xFFFFFFEF, v1;
	v12 =	vld.idx.msk [tilespmem:v16+s22+$0x0], $0xffff;
	v16 =	vsel vm12, $0x1, v1  }
0xe6: {  	v22 =	vld.idx.msk [tilespmem:v10+s22+$0x0], $0xffff;
	v10 =	vadd.f32 v14, v5;
	v5 =	vshll.u32 v13, $0x5;
	v9 =	vadd.s32 v9, v8  }
0xe7: {  	v14 =	vld.idx.msk [tilespmem:v15+s19+$0x0], $0xffff;
	v7 =	vadd.s32 v16, v11;
	v8 =	vshll.u32 v8, $0x5;
	v5 =	vadd.s32 v3, v5  }
0xe8: {  	v15 =	vld.idx.msk [tilespmem:v15+s26+$0x0], $0xffff;
	v11 =	vmul.u32 $0x220, v11;
	v9 =	vadd.s32 $0x10, v9;
	v20 =	vmul.u32 $0x220, v7  }
0xe9: {  	v16 =	vld [tilespmem:s24+$0xFFFFFFF0];
	v5 =	vadd.s32 v6, v5;
	v21 =	vshll.u32 v9, $0x5;
	vm13 =	vgt.s32 v9, $0x0  }
0xea: {  	v23 =	vld [tilespmem:s0+$0x0];
	v24 =	vor.u32 v2, v5;
	v26 =	vor.u32 v4, v5;
	v13 =	vadd.s32 v3, v21  }
0xeb: {  	v6 =	vld [tilespmem:s0+$0xFFFFFFE0];
	v5 =	vsel vm13, $0xFFFFFFEF, v1;
	v13 =	vadd.s32 v20, v13;
	v20 =	vadd.s32 v3, v8  }
0xec: {  	v25 =	vld [tilespmem:s24+$0x0];
	v8 =	vsel vm13, $0x1, v1;
	v5 =	vadd.s32 v5, v9;
	v14 =	vsub.f32 v14, v12  }
0xed: {  	v60 =	vld.idx.msk [tilespmem:v17+s19+$0x0], $0xffff;
	v12 =	vsub.f32 v15, v22;
	v21 =	vor.u32 v2, v13;
	v13 =	vor.u32 v4, v13  }
0xee: {  	v27 =	vadd.s32 v8, v7;
	v8 =	vld.idx.msk [tilespmem:v17+s26+$0x0], $0xffff;
	v7 =	vadd.s32 v11, v20;
	v17 =	vadd.s32 $0x10, v5  }
0xef: {  	v11 =	vmul.u32 $0x220, v27;
	v15 =	vor.u32 v2, v7;
	v62 =	vor.u32 v4, v7;
	v63 =	vld.idx.msk [tilespmem:v24+s22+$0x0], $0xffff  }
0xf0: {  	v7 =	vand.u32 $0x7FFFFFFF, v14;
	v14 =	vand.u32 $0x7FFFFFFF, v6;
	v6 =	vand.u32 $0x7FFFFFFF, v18;
	v18 =	vld.idx.msk [tilespmem:v26+s22+$0x0], $0xffff  }
0xf1: {  	v20 =	vshll.u32 v17, $0x5;
	v9 =	vld.idx.msk [tilespmem:v16+s26+$0x0], $0xffff;
	v11 =	vadd.s32 v3, v11  }
0xf2: {  	v5 =	vand.u32 $0x7FFFFFFF, v23;
	v22 =	vld.idx.msk [tilespmem:v16+s19+$0x0], $0xffff;
	v11 =	vadd.s32 v20, v11  }
0xf3: {  	vm14 =	vgt.s32 v17, $0x0;
	v20 =	vand.u32 $0x7FFFFFFF, v12;
	v61 =	vld.idx.msk [tilespmem:v21+s22+$0x0], $0xffff;
	v16 =	vor.u32 v2, v11  }
0xf4: {  	v12 =	vor.u32 v4, v11;
	v11 =	vld.idx.msk [tilespmem:v13+s22+$0x0], $0xffff;
	v13 =	vadd.f32 v20, v7;
	v20 =	vsel vm14, $0xFFFFFFEF, v1  }
0xf5: {  	v7 =	vand.u32 $0x7FFFFFFF, v19;
	v19 =	vsel vm14, $0x1, v1;
	v15 =	vld.idx.msk [tilespmem:v15+s22+$0x0], $0xffff;
	v23 =	vadd.s32 v20, v17  }
0xf6: {  	v17 =	vld.idx.msk [tilespmem:v25+s26+$0x0], $0xffff;
	v21 =	vadd.s32 v19, v27;
	v20 =	vmul.f32 v13, v14;
	v23 =	vadd.s32 $0x10, v23  }
0xf7: {  	v19 =	vld.idx.msk [tilespmem:v25+s19+$0x0], $0xffff;
	v24 =	vshll.u32 v23, $0x5;
	vm15 =	vgt.s32 v23, $0x0;
	v13 =	vsub.f32 v22, v63  }
0xf8: {  	s20 =	simm.s32 $0x60;
	s21 =	simm.s32 $0x4;
	v22 =	vld.idx.msk [tilespmem:v62+s22+$0x0], $0xffff;
	v25 =	vsel vm15, $0x1, v1;
	v26 =	vsel vm15, $0xFFFFFFEF, v1;
	v14 =	vsub.f32 v60, v61  }
.LBB2_7:
0xf9: {  	s21 =	sadd.s32 $0x4, s21;
	v24 =	vadd.s32 v3, v24;
	v23 =	vadd.s32 v26, v23;
	v9 =	vsub.f32 v9, v18;
	s0 =	sadd.s32 $0x40, s0  }
0xfa: {  	v25 =	vadd.s32 v25, v21;
	v10 =	vadd.f32 v20, v10;
	p0 =	slt.u32 s21, $0x84;
	v18 =	vld [tilespmem:s20+$0xFFFFFFE0];
	v23 =	vadd.s32 $0x10, v23  }
0xfb: {  	v8 =	vsub.f32 v8, v11;
	v20 =	vshll.u32 v23, $0x5;
	vm0 =	vgt.s32 v23, $0x0  }
0xfc: {  	v15 =	vsub.f32 v19, v15;
	v11 =	vsel vm0, $0x1, v1;
	v26 =	vsel vm0, $0xFFFFFFEF, v1;
	v27 =	vld [tilespmem:s0+$0x10]  }
0xfd: {  	v17 =	vsub.f32 v17, v22;
	v19 =	vld [tilespmem:s0+$0xFFFFFFF0];
	v11 =	vadd.s32 v11, v25;
	v23 =	vadd.s32 v26, v23  }
0xfe: {  	v20 =	vadd.s32 v3, v20;
	v15 =	vand.u32 $0x7FFFFFFF, v15;
	v16 =	vld.idx.msk [tilespmem:v16+s22+$0x0], $0xffff;
	v22 =	vadd.s32 $0x10, v23  }
0xff: {  	v8 =	vand.u32 $0x7FFFFFFF, v8;
	v26 =	vmul.u32 $0x220, v11;
	v23 =	vld [tilespmem:s20+$0x10];
	v28 =	vshll.u32 v22, $0x5  }
0x100: {  	v21 =	vmul.u32 $0x220, v21;
	v14 =	vand.u32 $0x7FFFFFFF, v14;
	v29 =	vld [tilespmem:s20+$0xFFFFFFF0];
	v28 =	vadd.s32 v3, v28  }
0x101: {  	v9 =	vand.u32 $0x7FFFFFFF, v9;
	v14 =	vadd.f32 v8, v14;
	v12 =	vld.idx.msk [tilespmem:v12+s22+$0x0], $0xffff;
	v26 =	vadd.s32 v26, v28  }
0x102: {  	v8 =	vand.u32 $0x7FFFFFFF, v13;
	v28 =	vld.idx.msk [tilespmem:v18+s19+$0x0], $0xffff;
	v30 =	vor.u32 v2, v26;
	v26 =	vor.u32 v4, v26  }
0x103: {  	v17 =	vand.u32 $0x7FFFFFFF, v17;
	v13 =	vld.idx.msk [tilespmem:v18+s26+$0x0], $0xffff;
	v18 =	vadd.s32 v21, v24;
	v21 =	vmul.u32 $0x220, v25  }
0x104: {  	vm0 =	vgt.s32 v22, $0x0;
	v15 =	vadd.f32 v17, v15;
	v24 =	vor.u32 v2, v18;
	v25 =	vld [tilespmem:s0+$0x0]  }
0x105: {  	v31 =	vsel vm0, $0x1, v1;
	v32 =	vsel vm0, $0xFFFFFFEF, v1;
	v18 =	vor.u32 v4, v18;
	v17 =	vld [tilespmem:s0+$0xFFFFFFE0]  }
0x106: {  	v9 =	vadd.f32 v9, v8;
	v31 =	vadd.s32 v31, v11;
	v11 =	vadd.s32 v32, v22;
	v33 =	vld [tilespmem:s20+$0x0]  }
0x107: {  	v14 =	vmul.f32 v14, v7;
	v20 =	vadd.s32 v21, v20;
	v21 =	vadd.s32 $0x10, v11;
	v8 =	vld.idx.msk [tilespmem:v23+s26+$0x0], $0xffff  }
0x108: {  	v22 =	vmul.f32 v9, v6;
	v7 =	vmul.u32 $0x220, v31;
	s20 =	sadd.s32 $0x40, s20;
	v11 =	vsub.f32 v28, v16;
	v28 =	vld.idx.msk [tilespmem:v23+s19+$0x0], $0xffff  }
0x109: {  	v6 =	vsub.f32 v13, v12;
	v13 =	vor.u32 v2, v20;
	v9 =	vld.idx.msk [tilespmem:v29+s26+$0x0], $0xffff;
	v12 =	vand.u32 $0x7FFFFFFF, v25  }
0x10a: {  	v7 =	vadd.s32 v3, v7;
	v16 =	vshll.u32 v21, $0x5;
	v23 =	vmul.f32 v15, v5;
	v25 =	vld.idx.msk [tilespmem:v29+s19+$0x0], $0xffff;
	v5 =	vmovc v12  }
0x10b: {  	v7 =	vadd.s32 v16, v7;
	v15 =	vand.u32 $0x7FFFFFFF, v6;
	v29 =	vor.u32 v4, v20;
	v30 =	vld.idx.msk [tilespmem:v30+s22+$0x0], $0xffff  }
0x10c: {  	v16 =	vor.u32 v2, v7;
	v12 =	vor.u32 v4, v7;
	v7 =	vand.u32 $0x7FFFFFFF, v11;
	v32 =	vld.idx.msk [tilespmem:v24+s22+$0x0], $0xffff  }
0x10d: {  	v10 =	vadd.f32 v22, v10;
	v17 =	vand.u32 $0x7FFFFFFF, v17;
	v6 =	vand.u32 $0x7FFFFFFF, v19;
	v11 =	vld.idx.msk [tilespmem:v26+s22+$0x0], $0xffff  }
0x10e: {  	vm0 =	vgt.s32 v21, $0x0;
	v19 =	vadd.f32 v15, v7;
	v18 =	vld.idx.msk [tilespmem:v18+s22+$0x0], $0xffff  }
.Ltmp2:
0x10f: {  	v20 =	vsel vm0, $0xFFFFFFEF, v1;
	v10 =	vadd.f32 v23, v10;
	v7 =	vand.u32 $0x7FFFFFFF, v27;
	v15 =	vld.idx.msk [tilespmem:v13+s22+$0x0], $0xffff;
	(pc) =	sbr.rel @p0 .LBB2_7-.Ltmp2, $4  }
0x110: {  	v22 =	vadd.s32 v20, v21;
	v20 =	vmul.f32 v19, v17;
	v13 =	vsel vm0, $0x1, v1;
	v17 =	vld.idx.msk [tilespmem:v33+s26+$0x0], $0xffff  }
0x111: {  	v23 =	vadd.s32 $0x10, v22;
	v10 =	vadd.f32 v14, v10;
	v21 =	vadd.s32 v13, v31;
	v19 =	vld.idx.msk [tilespmem:v33+s19+$0x0], $0xffff  }
0x112: {  	v24 =	vshll.u32 v23, $0x5;
	vm0 =	vgt.s32 v23, $0x0;
	v13 =	vsub.f32 v25, v32;
	v22 =	vld.idx.msk [tilespmem:v29+s22+$0x0], $0xffff  }
0x113: {  	v26 =	vsel vm0, $0xFFFFFFEF, v1;
	v14 =	vsub.f32 v28, v30;
	v25 =	vsel vm0, $0x1, v1  }
0x114: {  	_ =	sdelay $0x1  }
0x115: {  	v27 =	vld [tilespmem:s20+$0xFFFFFFE0]  }
0x116: {  	v29 =	vld [tilespmem:s20+$0x10]  }
0x117: {  	v16 =	vld.idx.msk [tilespmem:v16+s22+$0x0], $0xffff  }
0x118: {  	v57 =	vld [tilespmem:s20+$0xFFFFFFF0]  }
0x119: {  	v23 =	vadd.s32 v26, v23;
	v24 =	vadd.s32 v3, v24;
	v12 =	vld.idx.msk [tilespmem:v12+s22+$0x0], $0xffff  }
0x11a: {  	s0 =	sadd.s32 $0x40, s0;
	v25 =	vadd.s32 v25, v21;
	v58 =	vmul.u32 $0x220, v21;
	v34 =	vld [tilespmem:s20+$0x0];
	v9 =	vsub.f32 v9, v18  }
0x11b: {  	v10 =	vadd.f32 v20, v10;
	v13 =	vand.u32 $0x7FFFFFFF, v13;
	v28 =	vld [tilespmem:s0+$0xFFFFFFF0];
	v23 =	vadd.s32 $0x10, v23  }
0x11c: {  	v8 =	vsub.f32 v8, v11;
	v59 =	vmul.u32 $0x220, v25;
	v60 =	vld [tilespmem:s0+$0xFFFFFFE0];
	vm0 =	vgt.s32 v23, $0x0  }
0x11d: {  	v31 =	vshll.u32 v23, $0x5;
	v21 =	vadd.s32 v58, v24;
	v15 =	vsub.f32 v19, v15;
	v30 =	vld.idx.msk [tilespmem:v27+s19+$0x0], $0xffff  }
0x11e: {  	v9 =	vand.u32 $0x7FFFFFFF, v9;
	v33 =	vsel vm0, $0xFFFFFFEF, v1;
	v61 =	vor.u32 v2, v21;
	v27 =	vld.idx.msk [tilespmem:v27+s26+$0x0], $0xffff  }
0x11f: {  	v32 =	vsel vm0, $0x1, v1;
	v21 =	vor.u32 v4, v21;
	v23 =	vadd.s32 v33, v23;
	v62 =	vld.idx.msk [tilespmem:v29+s26+$0x0], $0xffff  }
0x120: {  	v31 =	vadd.s32 v3, v31;
	v32 =	vadd.s32 v32, v25;
	v23 =	vadd.s32 $0x10, v23;
	v29 =	vld.idx.msk [tilespmem:v29+s19+$0x0], $0xffff  }
0x121: {  	v24 =	vadd.s32 v59, v31;
	v32 =	vmul.u32 $0x220, v32;
	v23 =	vshll.u32 v23, $0x5;
	v63 =	vld.idx.msk [tilespmem:v57+s26+$0x0], $0xffff  }
0x122: {  	v17 =	vsub.f32 v17, v22;
	v35 =	vor.u32 v2, v24;
	v3 =	vadd.s32 v3, v23;
	v36 =	vld.idx.msk [tilespmem:v57+s19+$0x0], $0xffff  }
0x123: {  	v9 =	vadd.f32 v9, v13;
	v37 =	vor.u32 v4, v24;
	v3 =	vadd.s32 v32, v3;
	v38 =	vld.idx.msk [tilespmem:v61+s22+$0x0], $0xffff  }
0x124: {  	v40 =	vand.u32 $0x7FFFFFFF, v15;
	v41 =	vand.u32 $0x7FFFFFFF, v17;
	v39 =	vld.idx.msk [tilespmem:v21+s22+$0x0], $0xffff;
	v2 =	vor.u32 v2, v3  }
0x125: {  	v6 =	vmul.f32 v9, v6;
	v43 =	vld.idx.msk [tilespmem:v34+s26+$0x0], $0xffff;
	v3 =	vor.u32 v4, v3;
	v4 =	vadd.f32 v41, v40  }
0x126: {  	v44 =	vand.u32 $0x7FFFFFFF, v14;
	v8 =	vand.u32 $0x7FFFFFFF, v8;
	v46 =	vld.idx.msk [tilespmem:v34+s19+$0x0], $0xffff  }
0x127: {  	v8 =	vadd.f32 v8, v44;
	v47 =	vadd.f32 v6, v10;
	v42 =	vld.idx.msk [tilespmem:v35+s22+$0x0], $0xffff;
	v4 =	vmul.f32 v4, v5  }
0x128: {  	v48 =	vld.idx.msk [tilespmem:v37+s22+$0x0], $0xffff;
	v45 =	vsub.f32 v30, v16  }
0x129: {  	v7 =	vmul.f32 v8, v7;
	v12 =	vsub.f32 v27, v12;
	v4 =	vadd.f32 v4, v47;
	v2 =	vld.idx.msk [tilespmem:v2+s22+$0x0], $0xffff  }
0x12a: {  	v52 =	vand.u32 $0x7FFFFFFF, v60;
	v53 =	vsub.f32 v36, v38;
	v11 =	vsub.f32 v63, v39;
	v3 =	vld.idx.msk [tilespmem:v3+s22+$0x0], $0xffff  }
0x12b: {  	v49 =	vand.u32 $0x7FFFFFFF, v12;
	v50 =	vand.u32 $0x7FFFFFFF, v45;
	v4 =	vadd.f32 v7, v4  }
0x12c: {  	v54 =	vld [tilespmem:s0+$0x0];
	v55 =	vand.u32 $0x7FFFFFFF, v28;
	v56 =	vsub.f32 v46, v42;
	v51 =	vadd.f32 v49, v50  }
0x12d: {  	v6 =	vsub.f32 v43, v48;
	v57 =	vand.u32 $0x7FFFFFFF, v11;
	v10 =	vand.u32 $0x7FFFFFFF, v53  }
0x12e: {  	v58 =	vld [tilespmem:s0+$0x10];
	v59 =	vadd.f32 v57, v10;
	v7 =	vand.u32 $0x7FFFFFFF, v56;
	v5 =	vmul.f32 v51, v52  }
0x12f: {  	v6 =	vand.u32 $0x7FFFFFFF, v6;
	v2 =	vsub.f32 v29, v2;
	v3 =	vsub.f32 v62, v3  }
0x130: {  	v60 =	vadd.f32 v6, v7;
	v61 =	vmul.f32 v59, v55;
	v4 =	vadd.f32 v5, v4  }
0x131: {  	s31 =	sadd.s32 $0x1, s31;
	v62 =	vand.u32 $0x7FFFFFFF, v54;
	v3 =	vand.u32 $0x7FFFFFFF, v3;
	v2 =	vand.u32 $0x7FFFFFFF, v2  }
0x132: {  	s24 =	sadd.s32 s1, s15;
	p0 =	sne.s32 s31, $0x5;
	v2 =	vadd.f32 v3, v2;
	v3 =	vmul.f32 v60, v62;
	v4 =	vadd.f32 v61, v4  }
.Ltmp3:
0x133: {  	s0 =	sshll.u32 s24, $0xE;
	v63 =	vand.u32 $0x7FFFFFFF, v58;
	(pc) =	sbr.rel @p0 .LBB2_2-.Ltmp3, $4  }
0x134: {  	s0 =	sadd.s32 s5, s0;
	v2 =	vmul.f32 v2, v63;
	v3 =	vadd.f32 v3, v4  }
0x135: {  	s0 =	sshrl.u32 s0, $0x3  }
0x136: {  	s0 =	sadd.s32 s2, s0;
	v2 =	vadd.f32 v2, v3  }
0x137: {  	[tilespmem:s19], [sflag:$0x2] =	stream.linear.gather [hbm4b:s0+s3], $0x4000, $0x38;
	[tilespmem:$0x1E120] =	vst v63  }
0x138: {  	_ =	swait.ge [sflag:s4], $0x4000  }
0x139: {  	v3 =	vlaneseq.u32;
	[sflag:s4] =	ssyncset.done $0x0  }
0x13a: {  	vm0 =	vgt.s32 v3, $0x0;
	[sflag:s4] =	ssyncadd.s32 $0xFFFFC000  }
0x13b: {  	v5 =	vimm.s32 $0x0;
	v4 =	vsel vm0, $0xFFFFFFEF, v1;
	_ =	swait.ge [sflag:s25], $0x4000  }
0x13c: {  	v6 =	vmul.u32 $0x220, v5;
	v4 =	vadd.s32 v4, v3;
	[sflag:s25] =	ssyncset.done $0x0  }
0x13d: {  	s1 =	simm.s32 $0x20;
	v3 =	vshll.u32 v3, $0x5;
	v4 =	vadd.s32 $0x10, v4;
	[sflag:s25] =	ssyncadd.s32 $0xFFFFC000  }
0x13e: {  	v8 =	vsel vm0, $0x1, v1;
	v3 =	vadd.s32 v6, v3;
	vm1 =	vgt.s32 v4, $0x0;
	v9 =	vld [tilespmem:s1+$0xFFFFFFE0]  }
0x13f: {  	v5 =	vadd.s32 v8, v5;
	v7 =	vor.u32 $0x1E, v3;
	v6 =	vsel vm1, $0xFFFFFFEF, v1  }
0x140: {  	v3 =	vor.u32 $0x1F, v3;
	v10 =	vsel vm1, $0x1, v1;
	v13 =	vld [tilespmem:s1+$0x10];
	v6 =	vadd.s32 v6, v4  }
0x141: {  	s0 =	simm.s32 $0x8A0;
	v15 =	vld [tilespmem:s1+$0xFFFFFFF0];
	v8 =	vadd.s32 v10, v5;
	v5 =	vmul.u32 $0x220, v5;
	v6 =	vadd.s32 $0x10, v6  }
0x142: {  	v18 =	vld [tilespmem:s0+$0xFFFFFFE0];
	v4 =	vshll.u32 v4, $0x5;
	vm12 =	vgt.s32 v6, $0x0  }
0x143: {  	v5 =	vadd.s32 v4, v5;
	v4 =	vld [tilespmem:s1+$0x0];
	v10 =	vsel vm12, $0x1, v1;
	v11 =	vsel vm12, $0xFFFFFFEF, v1  }
0x144: {  	v7 =	vld.idx.msk [tilespmem:v7+s22+$0x0], $0xffff;
	v10 =	vadd.s32 v10, v8;
	v11 =	vadd.s32 v11, v6;
	v8 =	vmul.u32 $0x220, v8  }
0x145: {  	v3 =	vld.idx.msk [tilespmem:v3+s22+$0x0], $0xffff;
	v6 =	vshll.u32 v6, $0x5;
	v11 =	vadd.s32 $0x10, v11;
	v12 =	vmul.u32 $0x220, v10  }
0x146: {  	v17 =	vor.u32 $0x1E, v5;
	v14 =	vshll.u32 v11, $0x5;
	v6 =	vadd.s32 v6, v8;
	v16 =	vld.idx.msk [tilespmem:v9+s18+$0x0], $0xffff  }
0x147: {  	vm13 =	vgt.s32 v11, $0x0;
	v12 =	vadd.s32 v14, v12;
	v9 =	vld.idx.msk [tilespmem:v9+s19+$0x0], $0xffff;
	v20 =	vor.u32 $0x1E, v6  }
0x148: {  	v8 =	vsel vm13, $0xFFFFFFEF, v1;
	v19 =	vsel vm13, $0x1, v1;
	v21 =	vld.idx.msk [tilespmem:v13+s19+$0x0], $0xffff;
	v14 =	vor.u32 $0x1E, v12  }
0x149: {  	v23 =	vld.idx.msk [tilespmem:v13+s18+$0x0], $0xffff;
	v12 =	vor.u32 $0x1F, v12;
	v8 =	vadd.s32 v8, v11;
	v10 =	vadd.s32 v19, v10  }
0x14a: {  	v19 =	vld.idx.msk [tilespmem:v15+s18+$0x0], $0xffff;
	v11 =	vadd.s32 $0x10, v8;
	v8 =	vmul.u32 $0x220, v10  }
0x14b: {  	v22 =	vld.idx.msk [tilespmem:v17+s22+$0x0], $0xffff;
	v17 =	vshll.u32 v11, $0x5  }
0x14c: {  	v5 =	vor.u32 $0x1F, v5;
	v13 =	vadd.s32 v8, v17;
	v8 =	vor.u32 $0x1F, v6;
	v6 =	vld.idx.msk [tilespmem:v20+s22+$0x0], $0xffff  }
0x14d: {  	v7 =	vsub.f32 v16, v7;
	v3 =	vsub.f32 v9, v3;
	v25 =	vor.u32 $0x1E, v13;
	v14 =	vld.idx.msk [tilespmem:v14+s22+$0x0], $0xffff  }
0x14e: {  	vm14 =	vgt.s32 v11, $0x0;
	v26 =	vor.u32 $0x1F, v13;
	v24 =	vld.idx.msk [tilespmem:v12+s22+$0x0], $0xffff  }
0x14f: {  	v13 =	vsel vm14, $0xFFFFFFEF, v1;
	v12 =	vld.idx.msk [tilespmem:v15+s19+$0x0], $0xffff;
	v9 =	vand.u32 $0x7FFFFFFF, v7;
	v3 =	vand.u32 $0x7FFFFFFF, v3  }
0x150: {  	v18 =	vand.u32 $0x7FFFFFFF, v18;
	v7 =	vld.idx.msk [tilespmem:v4+s18+$0x0], $0xffff;
	v20 =	vadd.f32 v3, v9;
	v3 =	vadd.s32 v13, v11  }
0x151: {  	v17 =	vsel vm14, $0x1, v1;
	v13 =	vld.idx.msk [tilespmem:v5+s22+$0x0], $0xffff;
	v11 =	vsub.f32 v19, v22;
	v16 =	vadd.s32 $0x10, v3  }
0x152: {  	v3 =	vld.idx.msk [tilespmem:v25+s22+$0x0], $0xffff;
	vm15 =	vgt.s32 v16, $0x0;
	v15 =	vmul.f32 v20, v18;
	v9 =	vsub.f32 v23, v14  }
0x153: {  	s21 =	simm.s32 $0x4;
	s20 =	simm.s32 $0x8A0;
	s1 =	simm.s32 $0x60;
	v5 =	vld.idx.msk [tilespmem:v26+s22+$0x0], $0xffff;
	v14 =	vsub.f32 v21, v24;
	v18 =	vsel vm15, $0x1, v1;
	v19 =	vsel vm15, $0xFFFFFFEF, v1  }
.LBB2_10:
0x154: {  	s21 =	sadd.s32 $0x4, s21;
	v20 =	vld [tilespmem:s1+$0xFFFFFFE0];
	v21 =	vshll.u32 v16, $0x5;
	v16 =	vadd.s32 v19, v16;
	v2 =	vadd.f32 v15, v2;
	s0 =	sadd.s32 $0x40, s0  }
0x155: {  	v10 =	vadd.s32 v17, v10;
	v14 =	vand.u32 $0x7FFFFFFF, v14;
	p0 =	slt.u32 s21, $0x84;
	v15 =	vadd.s32 $0x10, v16  }
0x156: {  	v16 =	vadd.s32 v18, v10;
	v12 =	vsub.f32 v12, v13;
	vm0 =	vgt.s32 v15, $0x0;
	v8 =	vld.idx.msk [tilespmem:v8+s22+$0x0], $0xffff  }
0x157: {  	v11 =	vand.u32 $0x7FFFFFFF, v11;
	v13 =	vsel vm0, $0x1, v1;
	v17 =	vsel vm0, $0xFFFFFFEF, v1;
	v4 =	vld.idx.msk [tilespmem:v4+s19+$0x0], $0xffff  }
0x158: {  	v12 =	vand.u32 $0x7FFFFFFF, v12;
	v13 =	vadd.s32 v13, v16;
	v17 =	vadd.s32 v17, v15;
	v18 =	vld [tilespmem:s20+$0x10]  }
0x159: {  	v9 =	vand.u32 $0x7FFFFFFF, v9;
	v17 =	vadd.s32 $0x10, v17;
	v19 =	vmul.u32 $0x220, v13;
	v22 =	vld [tilespmem:s20+$0xFFFFFFF0]  }
0x15a: {  	v10 =	vmul.u32 $0x220, v10;
	v9 =	vadd.f32 v14, v9;
	v23 =	vld [tilespmem:s1+$0x10];
	v24 =	vshll.u32 v17, $0x5  }
0x15b: {  	v16 =	vmul.u32 $0x220, v16;
	vm0 =	vgt.s32 v17, $0x0;
	v14 =	vld [tilespmem:s1+$0xFFFFFFF0];
	v19 =	vadd.s32 v24, v19  }
0x15c: {  	v6 =	vsub.f32 v7, v6;
	v24 =	vld.idx.msk [tilespmem:v20+s18+$0x0], $0xffff;
	v25 =	vor.u32 $0x1E, v19;
	v19 =	vor.u32 $0x1F, v19  }
0x15d: {  	v10 =	vadd.s32 v21, v10;
	v15 =	vshll.u32 v15, $0x5;
	v7 =	vld.idx.msk [tilespmem:v20+s19+$0x0], $0xffff;
	v20 =	vsub.f32 v4, v8  }
0x15e: {  	v21 =	vor.u32 $0x1E, v10;
	v26 =	vor.u32 $0x1F, v10;
	v18 =	vand.u32 $0x7FFFFFFF, v18;
	v27 =	vld [tilespmem:s20+$0x0];
	s20 =	smov.u32 s0  }
0x15f: {  	v10 =	vsel vm0, $0xFFFFFFEF, v1;
	v8 =	vadd.s32 v15, v16;
	v15 =	vand.u32 $0x7FFFFFFF, v22;
	v4 =	vld [tilespmem:s1+$0x0]  }
0x160: {  	v11 =	vadd.f32 v12, v11;
	v10 =	vadd.s32 v10, v17;
	v22 =	vor.u32 $0x1E, v8;
	v16 =	vld [tilespmem:s0+$0xFFFFFFE0]  }
0x161: {  	v28 =	vadd.s32 $0x10, v10;
	v8 =	vor.u32 $0x1F, v8;
	v12 =	vand.u32 $0x7FFFFFFF, v20;
	v25 =	vld.idx.msk [tilespmem:v25+s22+$0x0], $0xffff  }
0x162: {  	v6 =	vand.u32 $0x7FFFFFFF, v6;
	v10 =	vsel vm0, $0x1, v1;
	v3 =	vsub.f32 v24, v3;
	v20 =	vld.idx.msk [tilespmem:v23+s19+$0x0], $0xffff  }
0x163: {  	v10 =	vadd.s32 v10, v13;
	v6 =	vadd.f32 v12, v6;
	v5 =	vsub.f32 v7, v5;
	v24 =	vld.idx.msk [tilespmem:v14+s18+$0x0], $0xffff  }
0x164: {  	v7 =	vmul.u32 $0x220, v10;
	v3 =	vand.u32 $0x7FFFFFFF, v3;
	v12 =	vand.u32 $0x7FFFFFFF, v27;
	v21 =	vld.idx.msk [tilespmem:v21+s22+$0x0], $0xffff  }
0x165: {  	v13 =	vshll.u32 v28, $0x5;
	v11 =	vmul.f32 v11, v15;
	v15 =	vmul.f32 v9, v18;
	v23 =	vld.idx.msk [tilespmem:v23+s18+$0x0], $0xffff  }
0x166: {  	v7 =	vadd.s32 v7, v13;
	v5 =	vand.u32 $0x7FFFFFFF, v5;
	v9 =	vmul.f32 v6, v12;
	v18 =	vld.idx.msk [tilespmem:v19+s22+$0x0], $0xffff  }
0x167: {  	v2 =	vadd.f32 v11, v2;
	v27 =	vor.u32 $0x1F, v7;
	v19 =	vor.u32 $0x1E, v7;
	v6 =	vld.idx.msk [tilespmem:v22+s22+$0x0], $0xffff  }
0x168: {  	vm0 =	vgt.s32 v28, $0x0;
	v22 =	vand.u32 $0x7FFFFFFF, v16;
	v7 =	vld.idx.msk [tilespmem:v4+s18+$0x0], $0xffff  }
.Ltmp4:
0x169: {  	v11 =	vsel vm0, $0xFFFFFFEF, v1;
	v5 =	vadd.f32 v5, v3;
	v2 =	vadd.f32 v9, v2;
	v12 =	vld.idx.msk [tilespmem:v14+s19+$0x0], $0xffff;
	(pc) =	sbr.rel @p0 .LBB2_10-.Ltmp4, $4  }
0x16a: {  	v17 =	vsel vm0, $0x1, v1;
	v3 =	vadd.s32 v11, v28;
	v11 =	vsub.f32 v24, v21;
	v13 =	vld.idx.msk [tilespmem:v26+s22+$0x0], $0xffff  }
0x16b: {  	v16 =	vadd.s32 $0x10, v3;
	v2 =	vadd.f32 v15, v2;
	v9 =	vsub.f32 v23, v25  }
0x16c: {  	s1 =	sadd.s32 $0x40, s1;
	vm0 =	vgt.s32 v16, $0x0;
	v15 =	vmul.f32 v5, v22;
	v14 =	vsub.f32 v20, v18;
	v3 =	vld.idx.msk [tilespmem:v19+s22+$0x0], $0xffff  }
0x16d: {  	v18 =	vsel vm0, $0x1, v1;
	v19 =	vsel vm0, $0xFFFFFFEF, v1;
	v5 =	vld.idx.msk [tilespmem:v27+s22+$0x0], $0xffff  }
0x16e: {  	_ =	sdelay $0x2  }
0x16f: {  	v20 =	vld [tilespmem:s1+$0xFFFFFFE0]  }
0x170: {  	v8 =	vld.idx.msk [tilespmem:v8+s22+$0x0], $0xffff  }
0x171: {  	v4 =	vld.idx.msk [tilespmem:v4+s19+$0x0], $0xffff  }
0x172: {  	v22 =	vld [tilespmem:s20+$0x10]  }
0x173: {  	v24 =	vld [tilespmem:s1+$0x10]  }
0x174: {  	v25 =	vld [tilespmem:s1+$0xFFFFFFF0]  }
0x175: {  	v19 =	vadd.s32 v19, v16;
	v10 =	vadd.s32 v17, v10;
	v23 =	vld [tilespmem:s20+$0xFFFFFFF0];
	v46 =	vshll.u32 v16, $0x5  }
0x176: {  	v28 =	vld [tilespmem:s1+$0x0];
	v2 =	vadd.f32 v15, v2;
	v6 =	vsub.f32 v7, v6;
	v11 =	vand.u32 $0x7FFFFFFF, v11  }
0x177: {  	v47 =	vld [tilespmem:s20+$0x0];
	s0 =	sadd.s32 $0x40, s0;
	v19 =	vadd.s32 $0x10, v19;
	v17 =	vadd.s32 v18, v10;
	v10 =	vmul.u32 $0x220, v10  }
0x178: {  	v48 =	vld [tilespmem:s0+$0xFFFFFFE0];
	v12 =	vsub.f32 v12, v13;
	vm0 =	vgt.s32 v19, $0x0;
	v6 =	vand.u32 $0x7FFFFFFF, v6  }
0x179: {  	v44 =	vsel vm0, $0x1, v1;
	v21 =	vsel vm0, $0xFFFFFFEF, v1;
	v10 =	vadd.s32 v46, v10;
	v45 =	vld.idx.msk [tilespmem:v20+s18+$0x0], $0xffff  }
0x17a: {  	v12 =	vand.u32 $0x7FFFFFFF, v12;
	v18 =	vadd.s32 v44, v17;
	v21 =	vadd.s32 v21, v19;
	v20 =	vld.idx.msk [tilespmem:v20+s19+$0x0], $0xffff  }
0x17b: {  	v17 =	vmul.u32 $0x220, v17;
	v19 =	vshll.u32 v19, $0x5;
	v27 =	vor.u32 $0x1E, v10;
	v30 =	vld.idx.msk [tilespmem:v24+s19+$0x0], $0xffff  }
0x17c: {  	v10 =	vor.u32 $0x1F, v10;
	v11 =	vadd.f32 v12, v11;
	v21 =	vadd.s32 $0x10, v21;
	v31 =	vld.idx.msk [tilespmem:v25+s18+$0x0], $0xffff  }
0x17d: {  	v18 =	vmul.u32 $0x220, v18;
	v4 =	vsub.f32 v4, v8;
	v17 =	vadd.s32 v19, v17;
	v50 =	vld.idx.msk [tilespmem:v24+s18+$0x0], $0xffff  }
0x17e: {  	v54 =	vand.u32 $0x7FFFFFFF, v23;
	v21 =	vshll.u32 v21, $0x5;
	v29 =	vor.u32 $0x1E, v17;
	v53 =	vld.idx.msk [tilespmem:v28+s18+$0x0], $0xffff  }
0x17f: {  	v18 =	vadd.s32 v21, v18;
	v7 =	vor.u32 $0x1F, v17;
	v4 =	vand.u32 $0x7FFFFFFF, v4;
	v55 =	vld.idx.msk [tilespmem:v25+s19+$0x0], $0xffff  }
0x180: {  	v26 =	vor.u32 $0x1E, v18;
	v4 =	vadd.f32 v4, v6;
	v6 =	vmul.f32 v11, v54;
	v49 =	vld.idx.msk [tilespmem:v27+s22+$0x0], $0xffff  }
0x181: {  	v52 =	vor.u32 $0x1F, v18;
	v10 =	vld.idx.msk [tilespmem:v10+s22+$0x0], $0xffff  }
0x182: {  	v2 =	vadd.f32 v6, v2;
	v6 =	vld.idx.msk [tilespmem:v28+s19+$0x0], $0xffff  }
0x183: {  	v14 =	vand.u32 $0x7FFFFFFF, v14;
	v9 =	vand.u32 $0x7FFFFFFF, v9;
	v57 =	vand.u32 $0x7FFFFFFF, v47;
	v51 =	vld.idx.msk [tilespmem:v29+s22+$0x0], $0xffff  }
0x184: {  	v9 =	vadd.f32 v14, v9;
	v4 =	vmul.f32 v4, v57;
	v7 =	vld.idx.msk [tilespmem:v7+s22+$0x0], $0xffff  }
0x185: {  	v56 =	vand.u32 $0x7FFFFFFF, v22;
	v26 =	vld.idx.msk [tilespmem:v26+s22+$0x0], $0xffff;
	v3 =	vsub.f32 v45, v3;
	v5 =	vsub.f32 v20, v5  }
0x186: {  	v9 =	vmul.f32 v9, v56;
	v2 =	vadd.f32 v4, v2;
	v58 =	vld.idx.msk [tilespmem:v52+s22+$0x0], $0xffff  }
0x187: {  	v59 =	vld [tilespmem:s0+$0xFFFFFFF0];
	v4 =	vsub.f32 v31, v49;
	v3 =	vand.u32 $0x7FFFFFFF, v3;
	v5 =	vand.u32 $0x7FFFFFFF, v5  }
0x188: {  	v60 =	vand.u32 $0x7FFFFFFF, v48;
	v3 =	vadd.f32 v5, v3;
	v5 =	vsub.f32 v55, v10  }
0x189: {  	v61 =	vld [tilespmem:s0+$0x0];
	v2 =	vadd.f32 v9, v2;
	v4 =	vand.u32 $0x7FFFFFFF, v4;
	v62 =	vsub.f32 v53, v51  }
0x18a: {  	v6 =	vsub.f32 v6, v7;
	v8 =	vsub.f32 v50, v26;
	v5 =	vand.u32 $0x7FFFFFFF, v5  }
0x18b: {  	v63 =	vld [tilespmem:s0+$0x10];
	v3 =	vmul.f32 v3, v60;
	v7 =	vsub.f32 v30, v58;
	v4 =	vadd.f32 v5, v4  }
0x18c: {  	v5 =	vand.u32 $0x7FFFFFFF, v59;
	v6 =	vand.u32 $0x7FFFFFFF, v6;
	v10 =	vand.u32 $0x7FFFFFFF, v62  }
0x18d: {  	v2 =	vadd.f32 v3, v2;
	v3 =	vadd.f32 v6, v10;
	v4 =	vmul.f32 v4, v5  }
0x18e: {  	v6 =	vand.u32 $0x7FFFFFFF, v8;
	v5 =	vand.u32 $0x7FFFFFFF, v7;
	v7 =	vand.u32 $0x7FFFFFFF, v61  }
0x18f: {  	v5 =	vadd.f32 v5, v6;
	v3 =	vmul.f32 v3, v7;
	v2 =	vadd.f32 v4, v2  }
0x190: {  	v4 =	vand.u32 $0x7FFFFFFF, v63  }
0x191: {  	v4 =	vmul.f32 v5, v4;
	v2 =	vadd.f32 v3, v2  }
0x192: {  	s31 =	simm.s32 $0x0  }
0x193: {  	s0 =	simm.s32 $0x40;
	v3 =	vimm.f32 $0.0e+00;
	v2 =	vadd.f32 v4, v2;
	v4 =	vld [tilespmem:s31+$0x880]  }
.LBB2_12:
0x194: {  	p0 =	sne.s32 s0, $0x21C0  }
.Ltmp5:
0x195: {  	_ = 	snop;
	(pc) =	sbr.rel @p0 .LBB2_12-.Ltmp5, $3  }
0x196: {  	_ =	sdelay $0x1  }
0x197: {  	s1 =	sshra.s32 s0, $0x2;
	s0 =	sadd.s32 $0x40, s0;
	v3 =	vadd.f32 v4, v3  }
0x198: {  	v4 =	vld [tilespmem:s1+$0x880]  }
0x199: {  	_ =	sdelay $0x3  }
0x19a: {  	v3 =	vadd.f32 v4, v3;
	_ =	sdelay $0x1  }
0x19b: {  	s30 =	sadd.s32 $0x1, s30;
	v3 =	vmul.f32 v3, v0  }
0x19c: {  	[tilespmem:$0x1E100] =	vst v2;
	p0 =	sne.s32 s30, s17  }
.Ltmp6:
0x19d: {  	[tilespmem:$0x1E110] =	vst v3;
	(pc) =	sbr.rel @p0 .LBB2_1-.Ltmp6, $4  }
0x19e: {  	[hbm4b:s16+s3] =	stream.linear.scatter [tilespmem:s29], [sflag:$0x4], $0x20, $0x38;
	[tilespmem:$0x1E120] =	vst v63  }
0x19f: {  	_ =	swait.ge [sflag:s23], $0x20  }
0x1a0: {  	[sflag:s23] =	ssyncset.done $0x0  }
0x1a1: {  	[sflag:s23] =	ssyncadd.s32 $0xFFFFFFE0  }
0x1a2: {  	_ =	sfence.sel $0x180000  }
0x1a3: {  	[bflag:$0x0] =	sbarrier.arrive $0xFFFF  }
0x1a4: {  	_ =	strace $0x90000047  }
0x1a5: {  	s0 =	stileid.u32;
	[bflag:$0x2] =	sbarrier.arrive $0xFFFF  }
0x1a6: {  	p0 =	sne.s32 s0, $0x0;
	s0 =	rddreg [dreg:$0x2]  }
0x1a7: {  	s0 =	sadd.s32 @!p0 $0x100000, s0  }
0x1a8: {  	[sflag:s0] =	ssyncadd.tile.s32 @!p0 $0x1;
	_ =	shalt  }
.Lfunc_end2:
_tile_overlayer_lowered:
.L_overlay_start_2:
0x1a9: {  	(tag) =	ssettag $0x2  }
0x1aa: {  	s0 =	rddreg [dreg:$0x0];
	s2 =	stileid.u32  }
0x1ab: {  	s1 =	rddreg [dreg:$0x1];
	p0 =	sne.s32 s2, $0x0  }
0x1ac: {  	s3 =	rddreg [dreg:$0x2];
	[bflag:$0x3] =	sbarrier.arrive $0xFFFF;
	s2 =	simm.s32 @!p0 $0x1C04  }
0x1ad: {  	[timem:s3], [sflag:s2] =	dma.local @!p0 [hbm:s0], s1  }
0x1ae: {  	s0 =	simm.s32 @!p0 $0x4  }
0x1af: {  	_ =	swait.ge @!p0 [sflag:s0], s1  }
0x1b0: {  	s1 =	ssub.s32 @!p0 $0x0, s1;
	[sflag:s0] =	ssyncset.done @!p0 $0x0  }
0x1b1: {  	[sflag:s0] =	ssyncadd.s32 @!p0 s1  }
0x1b2: {  	[bflag:$0x3] =	sbarrier.arrive $0xFFFF  }
0x1b3: {  	_ =	shalt  }

</sc_bundles>
